<compile_context>
chip_gen: v7x
topology: tpu7x:2x2x1
jax: 0.10.2.dev20260603
libtpu: 0.0.44.dev20260713+nightly
codegen_flags: <defaults>
</compile_context>

<pallas_src>
import functools

import jax
import jax.numpy as jnp
from jax import lax
from jax.experimental import pallas as pl
from jax.experimental.pallas import tpu as pltpu
from jax.experimental.pallas import tpu_sc as plsc

N_NODES = 10000
D_IN = 128
N_EDGES = 320000
NC, NS = 2, 16
NW = NC * NS
E_TILE = N_EDGES // NW
E_TILE_P = 10192
CHUNK = 112
N_CHUNK = E_TILE_P // CHUNK
N_ACC = 10240
ROWS_TILE = N_ACC // NS
L = 16
BLK = 1000



def _sc_aggregate(x, eidx, zacc, zhist):
    mesh = plsc.VectorSubcoreMesh(
        core_axis_name="c", subcore_axis_name="s", num_cores=NC, num_subcores=NS
    )

    @functools.partial(
        pl.kernel,
        out_type=(
            jax.ShapeDtypeStruct((4, N_ACC, D_IN), jnp.bfloat16),
            jax.ShapeDtypeStruct((2, NW, N_ACC), jnp.float32),
        ),
        mesh=mesh,
        scratch_types=[
            pltpu.VMEM((2, N_CHUNK, CHUNK), jnp.int32),
            pltpu.VMEM((CHUNK, D_IN), jnp.bfloat16),
            pltpu.VMEM((CHUNK, D_IN), jnp.bfloat16),
            pltpu.VMEM((N_ACC,), jnp.float32),
            pltpu.VMEM_SHARED((N_ACC, D_IN), jnp.bfloat16),
            pltpu.SemaphoreType.DMA,
            pltpu.SemaphoreType.DMA,
        ],
        compiler_params=pltpu.CompilerParams(
            use_tc_tiling_on_sc=False, needs_layout_passes=False
        ),
    )
    def body(
        x_hbm,
        eidx_hbm,
        zacc_hbm,
        zhist_hbm,
        out_hbm,
        deg_hbm,
        ixall,
        gb0,
        gb1,
        hist,
        acc,
        sg0,
        sg1,
    ):
        c = lax.axis_index("c")
        s = lax.axis_index("s")
        wid = s * NC + c
        rbase = s * ROWS_TILE
        gb = (gb0, gb1)
        sg = (sg0, sg1)
        last = N_CHUNK - 1
        ones = jnp.ones((L,), jnp.float32)

        pltpu.sync_copy(eidx_hbm.at[wid], ixall)

        def gather_wait(b):
            pltpu.make_async_copy(x_hbm.at[ixall.at[0, 0]], gb[b], sg[b]).wait()

        for d in range(2):
            grow, srow = d, 1 - d

            def gather_start(g, b):
                pltpu.async_copy(x_hbm.at[ixall.at[grow, g]], gb[b], sg[b])

            def scatter(g, b):
                pltpu.sync_copy(gb[b], acc.at[ixall.at[srow, g]], add=True)

            def hist_update(g):
                for k in range(CHUNK // L):
                    idx16 = ixall[srow, g, pl.ds(k * L, L)]
                    plsc.addupdate_scatter(hist, [idx16], ones)

            pltpu.sync_copy(zacc_hbm, acc.at[pl.ds(rbase, ROWS_TILE)])
            pltpu.sync_copy(zhist_hbm, hist)
            plsc.subcore_barrier()

            gather_start(0, 0)

            def chunk(g, b, start_next_gather):
                if start_next_gather:
                    gather_start(g + 1, 1 - b)
                gather_wait(b)
                hist_update(g)
                scatter(g, b)

            def step(i, carry):
                g = 2 * i
                chunk(g, 0, True)
                chunk(g + 1, 1, True)
                return carry

            n_main = N_CHUNK - 2 if N_CHUNK % 2 == 0 else N_CHUNK - 3
            lax.fori_loop(0, n_main // 2, step, 0)
            for g in range(n_main, N_CHUNK):
                chunk(g, g % 2, g < N_CHUNK - 1)
            plsc.subcore_barrier()

            p = 2 * d + c
            pltpu.sync_copy(
                acc.at[pl.ds(rbase, ROWS_TILE)], out_hbm.at[p, pl.ds(rbase, ROWS_TILE)]
            )
            pltpu.sync_copy(hist, deg_hbm.at[d, wid])

    return body(x, eidx, zacc, zhist)


def _tc_finish(x, parts, degparts, wl1t, wr1t, b1, wl2t, wr2t, b2):
    def body(
        x_ref, p_ref, dp_ref, wl1_ref, wr1_ref, b1_ref, wl2_ref, wr2_ref, b2_ref, o_ref
    ):
        xb = x_ref[...]
        pf = p_ref[...].astype(jnp.float32)
        s1 = pf[0] + pf[1]
        s2 = pf[2] + pf[3]
        deg = jnp.sum(dp_ref[...], axis=2)
        m1 = s1 / jnp.maximum(deg[0], 1.0)[:, None]
        m2 = s2 / jnp.maximum(deg[1], 1.0)[:, None]
        f = (
            jnp.dot(m1, wl1_ref[...], preferred_element_type=jnp.float32)
            + jnp.dot(xb, wr1_ref[...], preferred_element_type=jnp.float32)
            + b1_ref[...]
        )
        r = (
            jnp.dot(m2, wl2_ref[...], preferred_element_type=jnp.float32)
            + jnp.dot(xb, wr2_ref[...], preferred_element_type=jnp.float32)
            + b2_ref[...]
        )
        o_ref[...] = jnp.concatenate([f, r], axis=1)

    grid = (N_NODES // BLK,)
    full = lambda shape: pl.BlockSpec(shape, lambda i: (0,) * len(shape))
    return pl.pallas_call(
        body,
        grid=grid,
        in_specs=[
            pl.BlockSpec((BLK, D_IN), lambda i: (i, 0)),
            pl.BlockSpec((4, BLK, D_IN), lambda i: (0, i, 0)),
            pl.BlockSpec((2, BLK, NW), lambda i: (0, i, 0)),
            full((D_IN, D_IN)),
            full((D_IN, D_IN)),
            full((1, D_IN)),
            full((D_IN, D_IN)),
            full((D_IN, D_IN)),
            full((1, D_IN)),
        ],
        out_specs=pl.BlockSpec((BLK, 2 * D_IN), lambda i: (i, 0)),
        out_shape=jax.ShapeDtypeStruct((N_NODES, 2 * D_IN), jnp.float32),
    )(x, parts, degparts, wl1t, wr1t, b1, wl2t, wr2t, b2)


def kernel(x, edge_index, W_l1, b_l1, W_r1, W_l2, b_l2, W_r2):
    eidx = (
        jnp.pad(
            edge_index.astype(jnp.int32).reshape(2, NW, E_TILE),
            ((0, 0), (0, 0), (0, E_TILE_P - E_TILE)),
            constant_values=N_ACC - 1,
        )
        .reshape(2, NW, N_CHUNK, CHUNK)
        .transpose(1, 0, 2, 3)
    )
    xbf = jnp.pad(x.astype(jnp.bfloat16), ((0, N_ACC - N_NODES), (0, 0)))
    zacc = jnp.zeros((ROWS_TILE, D_IN), dtype=jnp.bfloat16)
    zhist = jnp.zeros((N_ACC,), dtype=jnp.float32)
    parts, degparts = _sc_aggregate(xbf, eidx, zacc, zhist)
    degparts = degparts.transpose(0, 2, 1)
    return _tc_finish(
        x,
        parts,
        degparts,
        W_l1.T,
        W_r1.T,
        b_l1.reshape(1, D_IN),
        W_l2.T,
        W_r2.T,
        b_l2.reshape(1, D_IN),
    )

# --- scband reference (transcript-rebuilt; emitter-appended) ---
"""Pipeline reference for scband-bi-conv-670014899129 (READ-ONLY COPY).

The authoritative reference and input builder live on the scoring server;
editing this copy changes nothing except your own understanding.
"""

import jax, jax.numpy as jnp
import numpy as np

N_NODES = 10000
D_IN = 128
D_OUT = 128
N_EDGES = 320000


def _sage_conv(x, edge_index, W_l, b_l, W_r, num_nodes):
    # PyG SAGEConv (aggr='mean', root_weight=True, normalize=False):
    # out_i = lin_l(mean_{j in N(i)} x_j) + lin_r(x_i)
    src = edge_index[0]
    dst = edge_index[1]
    msg = x[src]  # gather source features
    agg = jax.ops.segment_sum(msg, dst, num_segments=num_nodes)
    deg = jax.ops.segment_sum(jnp.ones((edge_index.shape[1],), dtype=x.dtype), dst, num_segments=num_nodes)
    mean = agg / jnp.clip(deg, 1.0)[:, None]
    return mean @ W_l.T + b_l + x @ W_r.T


def setup_inputs(seed: int = 0) -> dict:
    key = jax.random.key(seed)
    k1, k2, k3, k4, k5, k6, k7, k8 = jax.random.split(key, 8)
    x = jax.random.normal(k1, (N_NODES, D_IN), dtype=jnp.float32)
    edge_index = jax.random.randint(k2, (2, N_EDGES), 0, N_NODES, dtype=jnp.int64)
    s = 1.0 / np.sqrt(D_IN)
    # forward-direction conv params (self.conv)
    W_l1 = jax.random.uniform(k3, (D_OUT, D_IN), dtype=jnp.float32, minval=-s, maxval=s)
    b_l1 = jax.random.uniform(k4, (D_OUT,), dtype=jnp.float32, minval=-s, maxval=s)
    W_r1 = jax.random.uniform(k5, (D_OUT, D_IN), dtype=jnp.float32, minval=-s, maxval=s)
    # reverse-direction conv params (self.rev_conv)
    W_l2 = jax.random.uniform(k6, (D_OUT, D_IN), dtype=jnp.float32, minval=-s, maxval=s)
    b_l2 = jax.random.uniform(k7, (D_OUT,), dtype=jnp.float32, minval=-s, maxval=s)
    W_r2 = jax.random.uniform(k8, (D_OUT, D_IN), dtype=jnp.float32, minval=-s, maxval=s)
    return {"x": x, "edge_index": edge_index, "W_l1": W_l1, "b_l1": b_l1, "W_r1": W_r1, "W_l2": W_l2, "b_l2": b_l2, "W_r2": W_r2}


def reference(x, edge_index, W_l1, b_l1, W_r1, W_l2, b_l2, W_r2):
    num_nodes = x.shape[0]
    rev_edge_index = edge_index[jnp.array([1, 0])]
    fwd_x = _sage_conv(x, edge_index, W_l1, b_l1, W_r1, num_nodes)
    rev_x = _sage_conv(x, rev_edge_index, W_l2, b_l2, W_r2, num_nodes)
    return jnp.concatenate([fwd_x, rev_x], axis=1)

if __name__ == "__main__":
    import jax
    _d = setup_inputs()
    print(jax.jit(kernel)(*tuple(_d.values())))

</pallas_src>

<mosaic_0001>
#map = affine_map<(d0, d1) -> (0, 0)>
#map1 = affine_map<(d0, d1) -> (0, 0, 0, 0)>
#map2 = affine_map<(d0, d1) -> (0)>
#map3 = affine_map<(d0, d1) -> (0, 0, 0)>
module attributes {stable_mosaic.version = 14 : i64} {
  func.func @body(%arg0: i32, %arg1: i32, %arg2: memref<10240x128xbf16, #tpu.memory_space<hbm>>, %arg3: memref<32x2x91x112xi32, #tpu.memory_space<hbm>>, %arg4: memref<640x128xbf16, #tpu.memory_space<hbm>>, %arg5: memref<10240xf32, #tpu.memory_space<hbm>>, %arg6: memref<4x10240x128xbf16, #tpu.memory_space<hbm>>, %arg7: memref<2x32x10240xf32, #tpu.memory_space<hbm>>, %arg8: memref<2x91x112xi32, #tpu.memory_space<vmem>>, %arg9: memref<112x128xbf16, #tpu.memory_space<vmem>>, %arg10: memref<112x128xbf16, #tpu.memory_space<vmem>>, %arg11: memref<10240xf32, #tpu.memory_space<vmem>>, %arg12: memref<10240x128xbf16, #tpu.memory_space<vmem_shared>>, %arg13: memref<!tpu.dma_semaphore, #tpu.memory_space<semaphore_mem>>, %arg14: memref<!tpu.dma_semaphore, #tpu.memory_space<semaphore_mem>>) attributes {dimension_semantics = [#tpu.dimension_semantics<core_parallel>, #tpu.dimension_semantics<subcore_parallel>], iteration_bounds = array<i64: 2, 16>, scalar_prefetch = 0 : i64, scratch_operands = 7 : i64, tpu.core_type = #tpu.core_type<sc_vector_subcore>, window_params = [{transform_indices = #map}, {transform_indices = #map1}, {transform_indices = #map}, {transform_indices = #map2}, {transform_indices = #map3}, {transform_indices = #map3}]} {
    %mul3A = arith.constant 2 : i32
    %mul3A_0 = arith.muli %arg1, %mul3A : i32
    %add3A = arith.addi %mul3A_0, %arg0 : i32
    %mul3A_1 = arith.constant 640 : i32
    %mul3A_2 = arith.muli %arg1, %mul3A_1 : i32
    %broadcast_in_dim3A = arith.constant 1.000000e+00 : f32
    %broadcast_in_dim3A_3 = vector.broadcast %broadcast_in_dim3A : f32 to vector<16xf32>
    "tpu.region"() ({
      %run_scoped3A_380 = tpu.sem_alloc : memref<!tpu.dma_semaphore, #tpu.memory_space<semaphore_mem>>
      %dma_start3A_381 = arith.constant 0 : i32
      %dma_start3A_382 = arith.constant 0 : i32
      %dma_start3A_383 = arith.constant 0 : i32
      %dma_start3A_384 = tpu.memref_slice %arg3[%add3A, %dma_start3A_381, %dma_start3A_382, %dma_start3A_383] : memref<32x2x91x112xi32, #tpu.memory_space<hbm>> -> memref<1x2x91x112xi32, #tpu.memory_space<hbm>>
      %dma_start3A_385 = tpu.memref_squeeze %dma_start3A_384 : memref<1x2x91x112xi32, #tpu.memory_space<hbm>> -> memref<2x91x112xi32, #tpu.memory_space<hbm>>
      %dma_start3A_386 = arith.constant 0 : i32
      %dma_start3A_387 = arith.constant 0 : i32
      %dma_start3A_388 = arith.constant 0 : i32
      %dma_start3A_389 = tpu.memref_slice %arg3[%add3A, %dma_start3A_386, %dma_start3A_387, %dma_start3A_388] : memref<32x2x91x112xi32, #tpu.memory_space<hbm>> -> memref<1x2x91x112xi32, #tpu.memory_space<hbm>>
      %dma_start3A_390 = tpu.memref_squeeze %dma_start3A_389 : memref<1x2x91x112xi32, #tpu.memory_space<hbm>> -> memref<2x91x112xi32, #tpu.memory_space<hbm>>
      tpu.enqueue_dma source(%dma_start3A_390 : memref<2x91x112xi32, #tpu.memory_space<hbm>>) target(%arg8 : memref<2x91x112xi32, #tpu.memory_space<vmem>>) target_semaphore(%run_scoped3A_380 : memref<!tpu.dma_semaphore, #tpu.memory_space<semaphore_mem>>)
      %dma_wait3A_391 = arith.constant 0 : i32
      %dma_wait3A_392 = arith.constant 0 : i32
      %dma_wait3A_393 = arith.constant 0 : i32
      %dma_wait3A_394 = tpu.memref_slice %arg3[%add3A, %dma_wait3A_391, %dma_wait3A_392, %dma_wait3A_393] : memref<32x2x91x112xi32, #tpu.memory_space<hbm>> -> memref<1x2x91x112xi32, #tpu.memory_space<hbm>>
      %dma_wait3A_395 = tpu.memref_squeeze %dma_wait3A_394 : memref<1x2x91x112xi32, #tpu.memory_space<hbm>> -> memref<2x91x112xi32, #tpu.memory_space<hbm>>
      %dma_wait3A_396 = arith.constant 0 : i32
      %dma_wait3A_397 = arith.constant 0 : i32
      %dma_wait3A_398 = arith.constant 0 : i32
      %dma_wait3A_399 = tpu.memref_slice %arg3[%add3A, %dma_wait3A_396, %dma_wait3A_397, %dma_wait3A_398] : memref<32x2x91x112xi32, #tpu.memory_space<hbm>> -> memref<1x2x91x112xi32, #tpu.memory_space<hbm>>
      %dma_wait3A_400 = tpu.memref_squeeze %dma_wait3A_399 : memref<1x2x91x112xi32, #tpu.memory_space<hbm>> -> memref<2x91x112xi32, #tpu.memory_space<hbm>>
      tpu.wait_dma2 semaphore(%run_scoped3A_380 : memref<!tpu.dma_semaphore, #tpu.memory_space<semaphore_mem>>) src(%dma_wait3A_400 : memref<2x91x112xi32, #tpu.memory_space<hbm>>) dst(%arg8 : memref<2x91x112xi32, #tpu.memory_space<vmem>>)
      tpu.yield
    }) : () -> ()
    "tpu.region"() ({
      %run_scoped3A_380 = tpu.sem_alloc : memref<!tpu.dma_semaphore, #tpu.memory_space<semaphore_mem>>
      %dma_start3A_381 = arith.constant 0 : i32
      %dma_start3A_382 = tpu.memref_slice %arg12[%mul3A_2, %dma_start3A_381] : memref<10240x128xbf16, #tpu.memory_space<vmem_shared>> -> memref<640x128xbf16, #tpu.memory_space<vmem_shared>>
      tpu.enqueue_dma source(%arg4 : memref<640x128xbf16, #tpu.memory_space<hbm>>) target(%dma_start3A_382 : memref<640x128xbf16, #tpu.memory_space<vmem_shared>>) target_semaphore(%run_scoped3A_380 : memref<!tpu.dma_semaphore, #tpu.memory_space<semaphore_mem>>)
      %dma_wait3A_383 = arith.constant 0 : i32
      %dma_wait3A_384 = tpu.memref_slice %arg12[%mul3A_2, %dma_wait3A_383] : memref<10240x128xbf16, #tpu.memory_space<vmem_shared>> -> memref<640x128xbf16, #tpu.memory_space<vmem_shared>>
      tpu.wait_dma2 semaphore(%run_scoped3A_380 : memref<!tpu.dma_semaphore, #tpu.memory_space<semaphore_mem>>) src(%arg4 : memref<640x128xbf16, #tpu.memory_space<hbm>>) dst(%dma_wait3A_384 : memref<640x128xbf16, #tpu.memory_space<vmem_shared>>)
      tpu.yield
    }) : () -> ()
    "tpu.region"() ({
      %run_scoped3A_380 = tpu.sem_alloc : memref<!tpu.dma_semaphore, #tpu.memory_space<semaphore_mem>>
      tpu.enqueue_dma source(%arg5 : memref<10240xf32, #tpu.memory_space<hbm>>) target(%arg11 : memref<10240xf32, #tpu.memory_space<vmem>>) target_semaphore(%run_scoped3A_380 : memref<!tpu.dma_semaphore, #tpu.memory_space<semaphore_mem>>)
      tpu.wait_dma2 semaphore(%run_scoped3A_380 : memref<!tpu.dma_semaphore, #tpu.memory_space<semaphore_mem>>) src(%arg5 : memref<10240xf32, #tpu.memory_space<hbm>>) dst(%arg11 : memref<10240xf32, #tpu.memory_space<vmem>>)
      tpu.yield
    }) : () -> ()
    %barrier3A = arith.constant 0 : index
    tpu.barrier barrier_id(%barrier3A)
    %dma_start3A = arith.constant 0 : i32
    %dma_start3A_4 = arith.constant 0 : i32
    %dma_start3A_5 = arith.constant 0 : i32
    %dma_start3A_6 = tpu.memref_slice %arg8[%dma_start3A, %dma_start3A_4, %dma_start3A_5] : memref<2x91x112xi32, #tpu.memory_space<vmem>> -> memref<1x1x112xi32, #tpu.memory_space<vmem>>
    %dma_start3A_7 = tpu.memref_squeeze %dma_start3A_6 : memref<1x1x112xi32, #tpu.memory_space<vmem>> -> memref<112xi32, #tpu.memory_space<vmem>>
    %dma_start3A_8 = arith.constant 0 : i32
    %dma_start3A_9 = arith.constant 0 : i32
    %dma_start3A_10 = tpu.memref_slice %arg2[%dma_start3A_8, %dma_start3A_9] : memref<10240x128xbf16, #tpu.memory_space<hbm>> -> memref<10240x128xbf16, #tpu.memory_space<hbm>>
    tpu.enqueue_indirect_dma source(%dma_start3A_10 : memref<10240x128xbf16, #tpu.memory_space<hbm>>) target(%arg9 : memref<112x128xbf16, #tpu.memory_space<vmem>>) offsets(%dma_start3A_7 : memref<112xi32, #tpu.memory_space<vmem>>) semaphore(%arg13 : memref<!tpu.dma_semaphore, #tpu.memory_space<semaphore_mem>>)
    %scan3A = arith.constant 0 : i32
    %scan3A_11 = arith.constant 0 : i32
    %scan3A_12 = arith.constant 44 : i32
    %scan3A_13 = arith.addi %scan3A_11, %scan3A_12 : i32
    %scan3A_14 = arith.constant 1 : i32
    scf.for %scan3A_380 = %scan3A_11 to %scan3A_13 step %scan3A_14  : i32 {
      %mul3A_381 = arith.constant 2 : i32
      %mul3A_382 = arith.muli %mul3A_381, %scan3A_380 : i32
      %add3A_383 = arith.constant 1 : i32
      %add3A_384 = arith.addi %mul3A_382, %add3A_383 : i32
      %dma_start3A_385 = arith.constant 0 : i32
      %dma_start3A_386 = arith.constant 0 : i32
      %dma_start3A_387 = tpu.memref_slice %arg8[%dma_start3A_385, %add3A_384, %dma_start3A_386] : memref<2x91x112xi32, #tpu.memory_space<vmem>> -> memref<1x1x112xi32, #tpu.memory_space<vmem>>
      %dma_start3A_388 = tpu.memref_squeeze %dma_start3A_387 : memref<1x1x112xi32, #tpu.memory_space<vmem>> -> memref<112xi32, #tpu.memory_space<vmem>>
      %dma_start3A_389 = arith.constant 0 : i32
      %dma_start3A_390 = arith.constant 0 : i32
      %dma_start3A_391 = tpu.memref_slice %arg2[%dma_start3A_389, %dma_start3A_390] : memref<10240x128xbf16, #tpu.memory_space<hbm>> -> memref<10240x128xbf16, #tpu.memory_space<hbm>>
      tpu.enqueue_indirect_dma source(%dma_start3A_391 : memref<10240x128xbf16, #tpu.memory_space<hbm>>) target(%arg10 : memref<112x128xbf16, #tpu.memory_space<vmem>>) offsets(%dma_start3A_388 : memref<112xi32, #tpu.memory_space<vmem>>) semaphore(%arg14 : memref<!tpu.dma_semaphore, #tpu.memory_space<semaphore_mem>>)
      %dma_wait3A_392 = arith.constant 0 : i32
      %dma_wait3A_393 = arith.constant 0 : i32
      %dma_wait3A_394 = arith.constant 0 : i32
      %dma_wait3A_395 = tpu.memref_slice %arg8[%dma_wait3A_392, %dma_wait3A_393, %dma_wait3A_394] : memref<2x91x112xi32, #tpu.memory_space<vmem>> -> memref<1x1x112xi32, #tpu.memory_space<vmem>>
      %dma_wait3A_396 = tpu.memref_squeeze %dma_wait3A_395 : memref<1x1x112xi32, #tpu.memory_space<vmem>> -> memref<112xi32, #tpu.memory_space<vmem>>
      %dma_wait3A_397 = arith.constant 0 : i32
      %dma_wait3A_398 = arith.constant 0 : i32
      %dma_wait3A_399 = tpu.memref_slice %arg2[%dma_wait3A_397, %dma_wait3A_398] : memref<10240x128xbf16, #tpu.memory_space<hbm>> -> memref<10240x128xbf16, #tpu.memory_space<hbm>>
      tpu.wait_indirect_dma semaphore(%arg13 : memref<!tpu.dma_semaphore, #tpu.memory_space<semaphore_mem>>) src(%dma_wait3A_399 : memref<10240x128xbf16, #tpu.memory_space<hbm>>) dst(%arg9 : memref<112x128xbf16, #tpu.memory_space<vmem>>)
      %get3A_400 = arith.constant 1 : i32
      %get3A_401 = arith.index_cast %get3A_400 : i32 to index
      %get3A_402 = arith.index_cast %mul3A_382 : i32 to index
      %get3A_403 = arith.constant 0 : index
      %get3A_404 = tpu.vector_load %arg8[%get3A_401, %get3A_402, %get3A_403] {strides = array<i32>} : memref<2x91x112xi32, #tpu.memory_space<vmem>>, vector<16xi32>,
      tpu.vector_store_idx %arg11[%get3A_404], %broadcast_in_dim3A_3 {add = true} : memref<10240xf32, #tpu.memory_space<vmem>>[vector<16xi32>], vector<16xf32>,
      %get3A_405 = arith.constant 1 : i32
      %get3A_406 = arith.index_cast %get3A_405 : i32 to index
      %get3A_407 = arith.index_cast %mul3A_382 : i32 to index
      %get3A_408 = arith.constant 16 : index
      %get3A_409 = tpu.vector_load %arg8[%get3A_406, %get3A_407, %get3A_408] {strides = array<i32>} : memref<2x91x112xi32, #tpu.memory_space<vmem>>, vector<16xi32>,
      tpu.vector_store_idx %arg11[%get3A_409], %broadcast_in_dim3A_3 {add = true} : memref<10240xf32, #tpu.memory_space<vmem>>[vector<16xi32>], vector<16xf32>,
      %get3A_410 = arith.constant 1 : i32
      %get3A_411 = arith.index_cast %get3A_410 : i32 to index
      %get3A_412 = arith.index_cast %mul3A_382 : i32 to index
      %get3A_413 = arith.constant 32 : index
      %get3A_414 = tpu.vector_load %arg8[%get3A_411, %get3A_412, %get3A_413] {strides = array<i32>} : memref<2x91x112xi32, #tpu.memory_space<vmem>>, vector<16xi32>,
      tpu.vector_store_idx %arg11[%get3A_414], %broadcast_in_dim3A_3 {add = true} : memref<10240xf32, #tpu.memory_space<vmem>>[vector<16xi32>], vector<16xf32>,
      %get3A_415 = arith.constant 1 : i32
      %get3A_416 = arith.index_cast %get3A_415 : i32 to index
      %get3A_417 = arith.index_cast %mul3A_382 : i32 to index
      %get3A_418 = arith.constant 48 : index
      %get3A_419 = tpu.vector_load %arg8[%get3A_416, %get3A_417, %get3A_418] {strides = array<i32>} : memref<2x91x112xi32, #tpu.memory_space<vmem>>, vector<16xi32>,
      tpu.vector_store_idx %arg11[%get3A_419], %broadcast_in_dim3A_3 {add = true} : memref<10240xf32, #tpu.memory_space<vmem>>[vector<16xi32>], vector<16xf32>,
      %get3A_420 = arith.constant 1 : i32
      %get3A_421 = arith.index_cast %get3A_420 : i32 to index
      %get3A_422 = arith.index_cast %mul3A_382 : i32 to index
      %get3A_423 = arith.constant 64 : index
      %get3A_424 = tpu.vector_load %arg8[%get3A_421, %get3A_422, %get3A_423] {strides = array<i32>} : memref<2x91x112xi32, #tpu.memory_space<vmem>>, vector<16xi32>,
      tpu.vector_store_idx %arg11[%get3A_424], %broadcast_in_dim3A_3 {add = true} : memref<10240xf32, #tpu.memory_space<vmem>>[vector<16xi32>], vector<16xf32>,
      %get3A_425 = arith.constant 1 : i32
      %get3A_426 = arith.index_cast %get3A_425 : i32 to index
      %get3A_427 = arith.index_cast %mul3A_382 : i32 to index
      %get3A_428 = arith.constant 80 : index
      %get3A_429 = tpu.vector_load %arg8[%get3A_426, %get3A_427, %get3A_428] {strides = array<i32>} : memref<2x91x112xi32, #tpu.memory_space<vmem>>, vector<16xi32>,
      tpu.vector_store_idx %arg11[%get3A_429], %broadcast_in_dim3A_3 {add = true} : memref<10240xf32, #tpu.memory_space<vmem>>[vector<16xi32>], vector<16xf32>,
      %get3A_430 = arith.constant 1 : i32
      %get3A_431 = arith.index_cast %get3A_430 : i32 to index
      %get3A_432 = arith.index_cast %mul3A_382 : i32 to index
      %get3A_433 = arith.constant 96 : index
      %get3A_434 = tpu.vector_load %arg8[%get3A_431, %get3A_432, %get3A_433] {strides = array<i32>} : memref<2x91x112xi32, #tpu.memory_space<vmem>>, vector<16xi32>,
      tpu.vector_store_idx %arg11[%get3A_434], %broadcast_in_dim3A_3 {add = true} : memref<10240xf32, #tpu.memory_space<vmem>>[vector<16xi32>], vector<16xf32>,
      %run_scoped3A_435 = arith.constant 1 : i32
      "tpu.region"() ({
        %run_scoped3A_491 = tpu.sem_alloc : memref<!tpu.dma_semaphore, #tpu.memory_space<semaphore_mem>>
        %dma_start3A_492 = arith.constant 0 : i32
        %dma_start3A_493 = tpu.memref_slice %arg8[%run_scoped3A_435, %mul3A_382, %dma_start3A_492] : memref<2x91x112xi32, #tpu.memory_space<vmem>> -> memref<1x1x112xi32, #tpu.memory_space<vmem>>
        %dma_start3A_494 = tpu.memref_squeeze %dma_start3A_493 : memref<1x1x112xi32, #tpu.memory_space<vmem>> -> memref<112xi32, #tpu.memory_space<vmem>>
        %dma_start3A_495 = arith.constant 0 : i32
        %dma_start3A_496 = arith.constant 0 : i32
        %dma_start3A_497 = tpu.memref_slice %arg12[%dma_start3A_495, %dma_start3A_496] : memref<10240x128xbf16, #tpu.memory_space<vmem_shared>> -> memref<10240x128xbf16, #tpu.memory_space<vmem_shared>>
        tpu.enqueue_indirect_dma source(%arg9 : memref<112x128xbf16, #tpu.memory_space<vmem>>) target(%dma_start3A_497 : memref<10240x128xbf16, #tpu.memory_space<vmem_shared>>) offsets(%dma_start3A_494 : memref<112xi32, #tpu.memory_space<vmem>>) semaphore(%run_scoped3A_491 : memref<!tpu.dma_semaphore, #tpu.memory_space<semaphore_mem>>) {add = true}
        %dma_wait3A_498 = arith.constant 0 : i32
        %dma_wait3A_499 = tpu.memref_slice %arg8[%run_scoped3A_435, %mul3A_382, %dma_wait3A_498] : memref<2x91x112xi32, #tpu.memory_space<vmem>> -> memref<1x1x112xi32, #tpu.memory_space<vmem>>
        %dma_wait3A_500 = tpu.memref_squeeze %dma_wait3A_499 : memref<1x1x112xi32, #tpu.memory_space<vmem>> -> memref<112xi32, #tpu.memory_space<vmem>>
        %dma_wait3A_501 = arith.constant 0 : i32
        %dma_wait3A_502 = arith.constant 0 : i32
        %dma_wait3A_503 = tpu.memref_slice %arg12[%dma_wait3A_501, %dma_wait3A_502] : memref<10240x128xbf16, #tpu.memory_space<vmem_shared>> -> memref<10240x128xbf16, #tpu.memory_space<vmem_shared>>
        tpu.wait_indirect_dma semaphore(%run_scoped3A_491 : memref<!tpu.dma_semaphore, #tpu.memory_space<semaphore_mem>>) src(%arg9 : memref<112x128xbf16, #tpu.memory_space<vmem>>) dst(%dma_wait3A_503 : memref<10240x128xbf16, #tpu.memory_space<vmem_shared>>)
        tpu.yield
      }) : () -> ()
      %add3A_436 = arith.constant 1 : i32
      %add3A_437 = arith.addi %mul3A_382, %add3A_436 : i32
      %add3A_438 = arith.constant 1 : i32
      %add3A_439 = arith.addi %add3A_437, %add3A_438 : i32
      %dma_start3A_440 = arith.constant 0 : i32
      %dma_start3A_441 = arith.constant 0 : i32
      %dma_start3A_442 = tpu.memref_slice %arg8[%dma_start3A_440, %add3A_439, %dma_start3A_441] : memref<2x91x112xi32, #tpu.memory_space<vmem>> -> memref<1x1x112xi32, #tpu.memory_space<vmem>>
      %dma_start3A_443 = tpu.memref_squeeze %dma_start3A_442 : memref<1x1x112xi32, #tpu.memory_space<vmem>> -> memref<112xi32, #tpu.memory_space<vmem>>
      %dma_start3A_444 = arith.constant 0 : i32
      %dma_start3A_445 = arith.constant 0 : i32
      %dma_start3A_446 = tpu.memref_slice %arg2[%dma_start3A_444, %dma_start3A_445] : memref<10240x128xbf16, #tpu.memory_space<hbm>> -> memref<10240x128xbf16, #tpu.memory_space<hbm>>
      tpu.enqueue_indirect_dma source(%dma_start3A_446 : memref<10240x128xbf16, #tpu.memory_space<hbm>>) target(%arg9 : memref<112x128xbf16, #tpu.memory_space<vmem>>) offsets(%dma_start3A_443 : memref<112xi32, #tpu.memory_space<vmem>>) semaphore(%arg13 : memref<!tpu.dma_semaphore, #tpu.memory_space<semaphore_mem>>)
      %dma_wait3A_447 = arith.constant 0 : i32
      %dma_wait3A_448 = arith.constant 0 : i32
      %dma_wait3A_449 = arith.constant 0 : i32
      %dma_wait3A_450 = tpu.memref_slice %arg8[%dma_wait3A_447, %dma_wait3A_448, %dma_wait3A_449] : memref<2x91x112xi32, #tpu.memory_space<vmem>> -> memref<1x1x112xi32, #tpu.memory_space<vmem>>
      %dma_wait3A_451 = tpu.memref_squeeze %dma_wait3A_450 : memref<1x1x112xi32, #tpu.memory_space<vmem>> -> memref<112xi32, #tpu.memory_space<vmem>>
      %dma_wait3A_452 = arith.constant 0 : i32
      %dma_wait3A_453 = arith.constant 0 : i32
      %dma_wait3A_454 = tpu.memref_slice %arg2[%dma_wait3A_452, %dma_wait3A_453] : memref<10240x128xbf16, #tpu.memory_space<hbm>> -> memref<10240x128xbf16, #tpu.memory_space<hbm>>
      tpu.wait_indirect_dma semaphore(%arg14 : memref<!tpu.dma_semaphore, #tpu.memory_space<semaphore_mem>>) src(%dma_wait3A_454 : memref<10240x128xbf16, #tpu.memory_space<hbm>>) dst(%arg10 : memref<112x128xbf16, #tpu.memory_space<vmem>>)
      %get3A_455 = arith.constant 1 : i32
      %get3A_456 = arith.index_cast %get3A_455 : i32 to index
      %get3A_457 = arith.index_cast %add3A_437 : i32 to index
      %get3A_458 = arith.constant 0 : index
      %get3A_459 = tpu.vector_load %arg8[%get3A_456, %get3A_457, %get3A_458] {strides = array<i32>} : memref<2x91x112xi32, #tpu.memory_space<vmem>>, vector<16xi32>,
      tpu.vector_store_idx %arg11[%get3A_459], %broadcast_in_dim3A_3 {add = true} : memref<10240xf32, #tpu.memory_space<vmem>>[vector<16xi32>], vector<16xf32>,
      %get3A_460 = arith.constant 1 : i32
      %get3A_461 = arith.index_cast %get3A_460 : i32 to index
      %get3A_462 = arith.index_cast %add3A_437 : i32 to index
      %get3A_463 = arith.constant 16 : index
      %get3A_464 = tpu.vector_load %arg8[%get3A_461, %get3A_462, %get3A_463] {strides = array<i32>} : memref<2x91x112xi32, #tpu.memory_space<vmem>>, vector<16xi32>,
      tpu.vector_store_idx %arg11[%get3A_464], %broadcast_in_dim3A_3 {add = true} : memref<10240xf32, #tpu.memory_space<vmem>>[vector<16xi32>], vector<16xf32>,
      %get3A_465 = arith.constant 1 : i32
      %get3A_466 = arith.index_cast %get3A_465 : i32 to index
      %get3A_467 = arith.index_cast %add3A_437 : i32 to index
      %get3A_468 = arith.constant 32 : index
      %get3A_469 = tpu.vector_load %arg8[%get3A_466, %get3A_467, %get3A_468] {strides = array<i32>} : memref<2x91x112xi32, #tpu.memory_space<vmem>>, vector<16xi32>,
      tpu.vector_store_idx %arg11[%get3A_469], %broadcast_in_dim3A_3 {add = true} : memref<10240xf32, #tpu.memory_space<vmem>>[vector<16xi32>], vector<16xf32>,
      %get3A_470 = arith.constant 1 : i32
      %get3A_471 = arith.index_cast %get3A_470 : i32 to index
      %get3A_472 = arith.index_cast %add3A_437 : i32 to index
      %get3A_473 = arith.constant 48 : index
      %get3A_474 = tpu.vector_load %arg8[%get3A_471, %get3A_472, %get3A_473] {strides = array<i32>} : memref<2x91x112xi32, #tpu.memory_space<vmem>>, vector<16xi32>,
      tpu.vector_store_idx %arg11[%get3A_474], %broadcast_in_dim3A_3 {add = true} : memref<10240xf32, #tpu.memory_space<vmem>>[vector<16xi32>], vector<16xf32>,
      %get3A_475 = arith.constant 1 : i32
      %get3A_476 = arith.index_cast %get3A_475 : i32 to index
      %get3A_477 = arith.index_cast %add3A_437 : i32 to index
      %get3A_478 = arith.constant 64 : index
      %get3A_479 = tpu.vector_load %arg8[%get3A_476, %get3A_477, %get3A_478] {strides = array<i32>} : memref<2x91x112xi32, #tpu.memory_space<vmem>>, vector<16xi32>,
      tpu.vector_store_idx %arg11[%get3A_479], %broadcast_in_dim3A_3 {add = true} : memref<10240xf32, #tpu.memory_space<vmem>>[vector<16xi32>], vector<16xf32>,
      %get3A_480 = arith.constant 1 : i32
      %get3A_481 = arith.index_cast %get3A_480 : i32 to index
      %get3A_482 = arith.index_cast %add3A_437 : i32 to index
      %get3A_483 = arith.constant 80 : index
      %get3A_484 = tpu.vector_load %arg8[%get3A_481, %get3A_482, %get3A_483] {strides = array<i32>} : memref<2x91x112xi32, #tpu.memory_space<vmem>>, vector<16xi32>,
      tpu.vector_store_idx %arg11[%get3A_484], %broadcast_in_dim3A_3 {add = true} : memref<10240xf32, #tpu.memory_space<vmem>>[vector<16xi32>], vector<16xf32>,
      %get3A_485 = arith.constant 1 : i32
      %get3A_486 = arith.index_cast %get3A_485 : i32 to index
      %get3A_487 = arith.index_cast %add3A_437 : i32 to index
      %get3A_488 = arith.constant 96 : index
      %get3A_489 = tpu.vector_load %arg8[%get3A_486, %get3A_487, %get3A_488] {strides = array<i32>} : memref<2x91x112xi32, #tpu.memory_space<vmem>>, vector<16xi32>,
      tpu.vector_store_idx %arg11[%get3A_489], %broadcast_in_dim3A_3 {add = true} : memref<10240xf32, #tpu.memory_space<vmem>>[vector<16xi32>], vector<16xf32>,
      %run_scoped3A_490 = arith.constant 1 : i32
      "tpu.region"() ({
        %run_scoped3A_491 = tpu.sem_alloc : memref<!tpu.dma_semaphore, #tpu.memory_space<semaphore_mem>>
        %dma_start3A_492 = arith.constant 0 : i32
        %dma_start3A_493 = tpu.memref_slice %arg8[%run_scoped3A_490, %add3A_437, %dma_start3A_492] : memref<2x91x112xi32, #tpu.memory_space<vmem>> -> memref<1x1x112xi32, #tpu.memory_space<vmem>>
        %dma_start3A_494 = tpu.memref_squeeze %dma_start3A_493 : memref<1x1x112xi32, #tpu.memory_space<vmem>> -> memref<112xi32, #tpu.memory_space<vmem>>
        %dma_start3A_495 = arith.constant 0 : i32
        %dma_start3A_496 = arith.constant 0 : i32
        %dma_start3A_497 = tpu.memref_slice %arg12[%dma_start3A_495, %dma_start3A_496] : memref<10240x128xbf16, #tpu.memory_space<vmem_shared>> -> memref<10240x128xbf16, #tpu.memory_space<vmem_shared>>
        tpu.enqueue_indirect_dma source(%arg10 : memref<112x128xbf16, #tpu.memory_space<vmem>>) target(%dma_start3A_497 : memref<10240x128xbf16, #tpu.memory_space<vmem_shared>>) offsets(%dma_start3A_494 : memref<112xi32, #tpu.memory_space<vmem>>) semaphore(%run_scoped3A_491 : memref<!tpu.dma_semaphore, #tpu.memory_space<semaphore_mem>>) {add = true}
        %dma_wait3A_498 = arith.constant 0 : i32
        %dma_wait3A_499 = tpu.memref_slice %arg8[%run_scoped3A_490, %add3A_437, %dma_wait3A_498] : memref<2x91x112xi32, #tpu.memory_space<vmem>> -> memref<1x1x112xi32, #tpu.memory_space<vmem>>
        %dma_wait3A_500 = tpu.memref_squeeze %dma_wait3A_499 : memref<1x1x112xi32, #tpu.memory_space<vmem>> -> memref<112xi32, #tpu.memory_space<vmem>>
        %dma_wait3A_501 = arith.constant 0 : i32
        %dma_wait3A_502 = arith.constant 0 : i32
        %dma_wait3A_503 = tpu.memref_slice %arg12[%dma_wait3A_501, %dma_wait3A_502] : memref<10240x128xbf16, #tpu.memory_space<vmem_shared>> -> memref<10240x128xbf16, #tpu.memory_space<vmem_shared>>
        tpu.wait_indirect_dma semaphore(%run_scoped3A_491 : memref<!tpu.dma_semaphore, #tpu.memory_space<semaphore_mem>>) src(%arg10 : memref<112x128xbf16, #tpu.memory_space<vmem>>) dst(%dma_wait3A_503 : memref<10240x128xbf16, #tpu.memory_space<vmem_shared>>)
        tpu.yield
      }) : () -> ()
    }
    %scan3A_15 = arith.constant 44 : i32
    %dma_start3A_16 = arith.constant 0 : i32
    %dma_start3A_17 = arith.constant 89 : i32
    %dma_start3A_18 = arith.constant 0 : i32
    %dma_start3A_19 = tpu.memref_slice %arg8[%dma_start3A_16, %dma_start3A_17, %dma_start3A_18] : memref<2x91x112xi32, #tpu.memory_space<vmem>> -> memref<1x1x112xi32, #tpu.memory_space<vmem>>
    %dma_start3A_20 = tpu.memref_squeeze %dma_start3A_19 : memref<1x1x112xi32, #tpu.memory_space<vmem>> -> memref<112xi32, #tpu.memory_space<vmem>>
    %dma_start3A_21 = arith.constant 0 : i32
    %dma_start3A_22 = arith.constant 0 : i32
    %dma_start3A_23 = tpu.memref_slice %arg2[%dma_start3A_21, %dma_start3A_22] : memref<10240x128xbf16, #tpu.memory_space<hbm>> -> memref<10240x128xbf16, #tpu.memory_space<hbm>>
    tpu.enqueue_indirect_dma source(%dma_start3A_23 : memref<10240x128xbf16, #tpu.memory_space<hbm>>) target(%arg10 : memref<112x128xbf16, #tpu.memory_space<vmem>>) offsets(%dma_start3A_20 : memref<112xi32, #tpu.memory_space<vmem>>) semaphore(%arg14 : memref<!tpu.dma_semaphore, #tpu.memory_space<semaphore_mem>>)
    %dma_wait3A = arith.constant 0 : i32
    %dma_wait3A_24 = arith.constant 0 : i32
    %dma_wait3A_25 = arith.constant 0 : i32
    %dma_wait3A_26 = tpu.memref_slice %arg8[%dma_wait3A, %dma_wait3A_24, %dma_wait3A_25] : memref<2x91x112xi32, #tpu.memory_space<vmem>> -> memref<1x1x112xi32, #tpu.memory_space<vmem>>
    %dma_wait3A_27 = tpu.memref_squeeze %dma_wait3A_26 : memref<1x1x112xi32, #tpu.memory_space<vmem>> -> memref<112xi32, #tpu.memory_space<vmem>>
    %dma_wait3A_28 = arith.constant 0 : i32
    %dma_wait3A_29 = arith.constant 0 : i32
    %dma_wait3A_30 = tpu.memref_slice %arg2[%dma_wait3A_28, %dma_wait3A_29] : memref<10240x128xbf16, #tpu.memory_space<hbm>> -> memref<10240x128xbf16, #tpu.memory_space<hbm>>
    tpu.wait_indirect_dma semaphore(%arg13 : memref<!tpu.dma_semaphore, #tpu.memory_space<semaphore_mem>>) src(%dma_wait3A_30 : memref<10240x128xbf16, #tpu.memory_space<hbm>>) dst(%arg9 : memref<112x128xbf16, #tpu.memory_space<vmem>>)
    %get3A = arith.constant 1 : i32
    %get3A_31 = arith.constant 88 : i32
    %get3A_32 = arith.index_cast %get3A : i32 to index
    %get3A_33 = arith.index_cast %get3A_31 : i32 to index
    %get3A_34 = arith.constant 0 : index
    %get3A_35 = tpu.vector_load %arg8[%get3A_32, %get3A_33, %get3A_34] {strides = array<i32>} : memref<2x91x112xi32, #tpu.memory_space<vmem>>, vector<16xi32>,
    tpu.vector_store_idx %arg11[%get3A_35], %broadcast_in_dim3A_3 {add = true} : memref<10240xf32, #tpu.memory_space<vmem>>[vector<16xi32>], vector<16xf32>,
    %get3A_36 = arith.constant 1 : i32
    %get3A_37 = arith.constant 88 : i32
    %get3A_38 = arith.index_cast %get3A_36 : i32 to index
    %get3A_39 = arith.index_cast %get3A_37 : i32 to index
    %get3A_40 = arith.constant 16 : index
    %get3A_41 = tpu.vector_load %arg8[%get3A_38, %get3A_39, %get3A_40] {strides = array<i32>} : memref<2x91x112xi32, #tpu.memory_space<vmem>>, vector<16xi32>,
    tpu.vector_store_idx %arg11[%get3A_41], %broadcast_in_dim3A_3 {add = true} : memref<10240xf32, #tpu.memory_space<vmem>>[vector<16xi32>], vector<16xf32>,
    %get3A_42 = arith.constant 1 : i32
    %get3A_43 = arith.constant 88 : i32
    %get3A_44 = arith.index_cast %get3A_42 : i32 to index
    %get3A_45 = arith.index_cast %get3A_43 : i32 to index
    %get3A_46 = arith.constant 32 : index
    %get3A_47 = tpu.vector_load %arg8[%get3A_44, %get3A_45, %get3A_46] {strides = array<i32>} : memref<2x91x112xi32, #tpu.memory_space<vmem>>, vector<16xi32>,
    tpu.vector_store_idx %arg11[%get3A_47], %broadcast_in_dim3A_3 {add = true} : memref<10240xf32, #tpu.memory_space<vmem>>[vector<16xi32>], vector<16xf32>,
    %get3A_48 = arith.constant 1 : i32
    %get3A_49 = arith.constant 88 : i32
    %get3A_50 = arith.index_cast %get3A_48 : i32 to index
    %get3A_51 = arith.index_cast %get3A_49 : i32 to index
    %get3A_52 = arith.constant 48 : index
    %get3A_53 = tpu.vector_load %arg8[%get3A_50, %get3A_51, %get3A_52] {strides = array<i32>} : memref<2x91x112xi32, #tpu.memory_space<vmem>>, vector<16xi32>,
    tpu.vector_store_idx %arg11[%get3A_53], %broadcast_in_dim3A_3 {add = true} : memref<10240xf32, #tpu.memory_space<vmem>>[vector<16xi32>], vector<16xf32>,
    %get3A_54 = arith.constant 1 : i32
    %get3A_55 = arith.constant 88 : i32
    %get3A_56 = arith.index_cast %get3A_54 : i32 to index
    %get3A_57 = arith.index_cast %get3A_55 : i32 to index
    %get3A_58 = arith.constant 64 : index
    %get3A_59 = tpu.vector_load %arg8[%get3A_56, %get3A_57, %get3A_58] {strides = array<i32>} : memref<2x91x112xi32, #tpu.memory_space<vmem>>, vector<16xi32>,
    tpu.vector_store_idx %arg11[%get3A_59], %broadcast_in_dim3A_3 {add = true} : memref<10240xf32, #tpu.memory_space<vmem>>[vector<16xi32>], vector<16xf32>,
    %get3A_60 = arith.constant 1 : i32
    %get3A_61 = arith.constant 88 : i32
    %get3A_62 = arith.index_cast %get3A_60 : i32 to index
    %get3A_63 = arith.index_cast %get3A_61 : i32 to index
    %get3A_64 = arith.constant 80 : index
    %get3A_65 = tpu.vector_load %arg8[%get3A_62, %get3A_63, %get3A_64] {strides = array<i32>} : memref<2x91x112xi32, #tpu.memory_space<vmem>>, vector<16xi32>,
    tpu.vector_store_idx %arg11[%get3A_65], %broadcast_in_dim3A_3 {add = true} : memref<10240xf32, #tpu.memory_space<vmem>>[vector<16xi32>], vector<16xf32>,
    %get3A_66 = arith.constant 1 : i32
    %get3A_67 = arith.constant 88 : i32
    %get3A_68 = arith.index_cast %get3A_66 : i32 to index
    %get3A_69 = arith.index_cast %get3A_67 : i32 to index
    %get3A_70 = arith.constant 96 : index
    %get3A_71 = tpu.vector_load %arg8[%get3A_68, %get3A_69, %get3A_70] {strides = array<i32>} : memref<2x91x112xi32, #tpu.memory_space<vmem>>, vector<16xi32>,
    tpu.vector_store_idx %arg11[%get3A_71], %broadcast_in_dim3A_3 {add = true} : memref<10240xf32, #tpu.memory_space<vmem>>[vector<16xi32>], vector<16xf32>,
    %run_scoped3A = arith.constant 1 : i32
    %run_scoped3A_72 = arith.constant 88 : i32
    "tpu.region"() ({
      %run_scoped3A_380 = tpu.sem_alloc : memref<!tpu.dma_semaphore, #tpu.memory_space<semaphore_mem>>
      %dma_start3A_381 = arith.constant 0 : i32
      %dma_start3A_382 = tpu.memref_slice %arg8[%run_scoped3A, %run_scoped3A_72, %dma_start3A_381] : memref<2x91x112xi32, #tpu.memory_space<vmem>> -> memref<1x1x112xi32, #tpu.memory_space<vmem>>
      %dma_start3A_383 = tpu.memref_squeeze %dma_start3A_382 : memref<1x1x112xi32, #tpu.memory_space<vmem>> -> memref<112xi32, #tpu.memory_space<vmem>>
      %dma_start3A_384 = arith.constant 0 : i32
      %dma_start3A_385 = arith.constant 0 : i32
      %dma_start3A_386 = tpu.memref_slice %arg12[%dma_start3A_384, %dma_start3A_385] : memref<10240x128xbf16, #tpu.memory_space<vmem_shared>> -> memref<10240x128xbf16, #tpu.memory_space<vmem_shared>>
      tpu.enqueue_indirect_dma source(%arg9 : memref<112x128xbf16, #tpu.memory_space<vmem>>) target(%dma_start3A_386 : memref<10240x128xbf16, #tpu.memory_space<vmem_shared>>) offsets(%dma_start3A_383 : memref<112xi32, #tpu.memory_space<vmem>>) semaphore(%run_scoped3A_380 : memref<!tpu.dma_semaphore, #tpu.memory_space<semaphore_mem>>) {add = true}
      %dma_wait3A_387 = arith.constant 0 : i32
      %dma_wait3A_388 = tpu.memref_slice %arg8[%run_scoped3A, %run_scoped3A_72, %dma_wait3A_387] : memref<2x91x112xi32, #tpu.memory_space<vmem>> -> memref<1x1x112xi32, #tpu.memory_space<vmem>>
      %dma_wait3A_389 = tpu.memref_squeeze %dma_wait3A_388 : memref<1x1x112xi32, #tpu.memory_space<vmem>> -> memref<112xi32, #tpu.memory_space<vmem>>
      %dma_wait3A_390 = arith.constant 0 : i32
      %dma_wait3A_391 = arith.constant 0 : i32
      %dma_wait3A_392 = tpu.memref_slice %arg12[%dma_wait3A_390, %dma_wait3A_391] : memref<10240x128xbf16, #tpu.memory_space<vmem_shared>> -> memref<10240x128xbf16, #tpu.memory_space<vmem_shared>>
      tpu.wait_indirect_dma semaphore(%run_scoped3A_380 : memref<!tpu.dma_semaphore, #tpu.memory_space<semaphore_mem>>) src(%arg9 : memref<112x128xbf16, #tpu.memory_space<vmem>>) dst(%dma_wait3A_392 : memref<10240x128xbf16, #tpu.memory_space<vmem_shared>>)
      tpu.yield
    }) : () -> ()
    %dma_start3A_73 = arith.constant 0 : i32
    %dma_start3A_74 = arith.constant 90 : i32
    %dma_start3A_75 = arith.constant 0 : i32
    %dma_start3A_76 = tpu.memref_slice %arg8[%dma_start3A_73, %dma_start3A_74, %dma_start3A_75] : memref<2x91x112xi32, #tpu.memory_space<vmem>> -> memref<1x1x112xi32, #tpu.memory_space<vmem>>
    %dma_start3A_77 = tpu.memref_squeeze %dma_start3A_76 : memref<1x1x112xi32, #tpu.memory_space<vmem>> -> memref<112xi32, #tpu.memory_space<vmem>>
    %dma_start3A_78 = arith.constant 0 : i32
    %dma_start3A_79 = arith.constant 0 : i32
    %dma_start3A_80 = tpu.memref_slice %arg2[%dma_start3A_78, %dma_start3A_79] : memref<10240x128xbf16, #tpu.memory_space<hbm>> -> memref<10240x128xbf16, #tpu.memory_space<hbm>>
    tpu.enqueue_indirect_dma source(%dma_start3A_80 : memref<10240x128xbf16, #tpu.memory_space<hbm>>) target(%arg9 : memref<112x128xbf16, #tpu.memory_space<vmem>>) offsets(%dma_start3A_77 : memref<112xi32, #tpu.memory_space<vmem>>) semaphore(%arg13 : memref<!tpu.dma_semaphore, #tpu.memory_space<semaphore_mem>>)
    %dma_wait3A_81 = arith.constant 0 : i32
    %dma_wait3A_82 = arith.constant 0 : i32
    %dma_wait3A_83 = arith.constant 0 : i32
    %dma_wait3A_84 = tpu.memref_slice %arg8[%dma_wait3A_81, %dma_wait3A_82, %dma_wait3A_83] : memref<2x91x112xi32, #tpu.memory_space<vmem>> -> memref<1x1x112xi32, #tpu.memory_space<vmem>>
    %dma_wait3A_85 = tpu.memref_squeeze %dma_wait3A_84 : memref<1x1x112xi32, #tpu.memory_space<vmem>> -> memref<112xi32, #tpu.memory_space<vmem>>
    %dma_wait3A_86 = arith.constant 0 : i32
    %dma_wait3A_87 = arith.constant 0 : i32
    %dma_wait3A_88 = tpu.memref_slice %arg2[%dma_wait3A_86, %dma_wait3A_87] : memref<10240x128xbf16, #tpu.memory_space<hbm>> -> memref<10240x128xbf16, #tpu.memory_space<hbm>>
    tpu.wait_indirect_dma semaphore(%arg14 : memref<!tpu.dma_semaphore, #tpu.memory_space<semaphore_mem>>) src(%dma_wait3A_88 : memref<10240x128xbf16, #tpu.memory_space<hbm>>) dst(%arg10 : memref<112x128xbf16, #tpu.memory_space<vmem>>)
    %get3A_89 = arith.constant 1 : i32
    %get3A_90 = arith.constant 89 : i32
    %get3A_91 = arith.index_cast %get3A_89 : i32 to index
    %get3A_92 = arith.index_cast %get3A_90 : i32 to index
    %get3A_93 = arith.constant 0 : index
    %get3A_94 = tpu.vector_load %arg8[%get3A_91, %get3A_92, %get3A_93] {strides = array<i32>} : memref<2x91x112xi32, #tpu.memory_space<vmem>>, vector<16xi32>,
    tpu.vector_store_idx %arg11[%get3A_94], %broadcast_in_dim3A_3 {add = true} : memref<10240xf32, #tpu.memory_space<vmem>>[vector<16xi32>], vector<16xf32>,
    %get3A_95 = arith.constant 1 : i32
    %get3A_96 = arith.constant 89 : i32
    %get3A_97 = arith.index_cast %get3A_95 : i32 to index
    %get3A_98 = arith.index_cast %get3A_96 : i32 to index
    %get3A_99 = arith.constant 16 : index
    %get3A_100 = tpu.vector_load %arg8[%get3A_97, %get3A_98, %get3A_99] {strides = array<i32>} : memref<2x91x112xi32, #tpu.memory_space<vmem>>, vector<16xi32>,
    tpu.vector_store_idx %arg11[%get3A_100], %broadcast_in_dim3A_3 {add = true} : memref<10240xf32, #tpu.memory_space<vmem>>[vector<16xi32>], vector<16xf32>,
    %get3A_101 = arith.constant 1 : i32
    %get3A_102 = arith.constant 89 : i32
    %get3A_103 = arith.index_cast %get3A_101 : i32 to index
    %get3A_104 = arith.index_cast %get3A_102 : i32 to index
    %get3A_105 = arith.constant 32 : index
    %get3A_106 = tpu.vector_load %arg8[%get3A_103, %get3A_104, %get3A_105] {strides = array<i32>} : memref<2x91x112xi32, #tpu.memory_space<vmem>>, vector<16xi32>,
    tpu.vector_store_idx %arg11[%get3A_106], %broadcast_in_dim3A_3 {add = true} : memref<10240xf32, #tpu.memory_space<vmem>>[vector<16xi32>], vector<16xf32>,
    %get3A_107 = arith.constant 1 : i32
    %get3A_108 = arith.constant 89 : i32
    %get3A_109 = arith.index_cast %get3A_107 : i32 to index
    %get3A_110 = arith.index_cast %get3A_108 : i32 to index
    %get3A_111 = arith.constant 48 : index
    %get3A_112 = tpu.vector_load %arg8[%get3A_109, %get3A_110, %get3A_111] {strides = array<i32>} : memref<2x91x112xi32, #tpu.memory_space<vmem>>, vector<16xi32>,
    tpu.vector_store_idx %arg11[%get3A_112], %broadcast_in_dim3A_3 {add = true} : memref<10240xf32, #tpu.memory_space<vmem>>[vector<16xi32>], vector<16xf32>,
    %get3A_113 = arith.constant 1 : i32
    %get3A_114 = arith.constant 89 : i32
    %get3A_115 = arith.index_cast %get3A_113 : i32 to index
    %get3A_116 = arith.index_cast %get3A_114 : i32 to index
    %get3A_117 = arith.constant 64 : index
    %get3A_118 = tpu.vector_load %arg8[%get3A_115, %get3A_116, %get3A_117] {strides = array<i32>} : memref<2x91x112xi32, #tpu.memory_space<vmem>>, vector<16xi32>,
    tpu.vector_store_idx %arg11[%get3A_118], %broadcast_in_dim3A_3 {add = true} : memref<10240xf32, #tpu.memory_space<vmem>>[vector<16xi32>], vector<16xf32>,
    %get3A_119 = arith.constant 1 : i32
    %get3A_120 = arith.constant 89 : i32
    %get3A_121 = arith.index_cast %get3A_119 : i32 to index
    %get3A_122 = arith.index_cast %get3A_120 : i32 to index
    %get3A_123 = arith.constant 80 : index
    %get3A_124 = tpu.vector_load %arg8[%get3A_121, %get3A_122, %get3A_123] {strides = array<i32>} : memref<2x91x112xi32, #tpu.memory_space<vmem>>, vector<16xi32>,
    tpu.vector_store_idx %arg11[%get3A_124], %broadcast_in_dim3A_3 {add = true} : memref<10240xf32, #tpu.memory_space<vmem>>[vector<16xi32>], vector<16xf32>,
    %get3A_125 = arith.constant 1 : i32
    %get3A_126 = arith.constant 89 : i32
    %get3A_127 = arith.index_cast %get3A_125 : i32 to index
    %get3A_128 = arith.index_cast %get3A_126 : i32 to index
    %get3A_129 = arith.constant 96 : index
    %get3A_130 = tpu.vector_load %arg8[%get3A_127, %get3A_128, %get3A_129] {strides = array<i32>} : memref<2x91x112xi32, #tpu.memory_space<vmem>>, vector<16xi32>,
    tpu.vector_store_idx %arg11[%get3A_130], %broadcast_in_dim3A_3 {add = true} : memref<10240xf32, #tpu.memory_space<vmem>>[vector<16xi32>], vector<16xf32>,
    %run_scoped3A_131 = arith.constant 1 : i32
    %run_scoped3A_132 = arith.constant 89 : i32
    "tpu.region"() ({
      %run_scoped3A_380 = tpu.sem_alloc : memref<!tpu.dma_semaphore, #tpu.memory_space<semaphore_mem>>
      %dma_start3A_381 = arith.constant 0 : i32
      %dma_start3A_382 = tpu.memref_slice %arg8[%run_scoped3A_131, %run_scoped3A_132, %dma_start3A_381] : memref<2x91x112xi32, #tpu.memory_space<vmem>> -> memref<1x1x112xi32, #tpu.memory_space<vmem>>
      %dma_start3A_383 = tpu.memref_squeeze %dma_start3A_382 : memref<1x1x112xi32, #tpu.memory_space<vmem>> -> memref<112xi32, #tpu.memory_space<vmem>>
      %dma_start3A_384 = arith.constant 0 : i32
      %dma_start3A_385 = arith.constant 0 : i32
      %dma_start3A_386 = tpu.memref_slice %arg12[%dma_start3A_384, %dma_start3A_385] : memref<10240x128xbf16, #tpu.memory_space<vmem_shared>> -> memref<10240x128xbf16, #tpu.memory_space<vmem_shared>>
      tpu.enqueue_indirect_dma source(%arg10 : memref<112x128xbf16, #tpu.memory_space<vmem>>) target(%dma_start3A_386 : memref<10240x128xbf16, #tpu.memory_space<vmem_shared>>) offsets(%dma_start3A_383 : memref<112xi32, #tpu.memory_space<vmem>>) semaphore(%run_scoped3A_380 : memref<!tpu.dma_semaphore, #tpu.memory_space<semaphore_mem>>) {add = true}
      %dma_wait3A_387 = arith.constant 0 : i32
      %dma_wait3A_388 = tpu.memref_slice %arg8[%run_scoped3A_131, %run_scoped3A_132, %dma_wait3A_387] : memref<2x91x112xi32, #tpu.memory_space<vmem>> -> memref<1x1x112xi32, #tpu.memory_space<vmem>>
      %dma_wait3A_389 = tpu.memref_squeeze %dma_wait3A_388 : memref<1x1x112xi32, #tpu.memory_space<vmem>> -> memref<112xi32, #tpu.memory_space<vmem>>
      %dma_wait3A_390 = arith.constant 0 : i32
      %dma_wait3A_391 = arith.constant 0 : i32
      %dma_wait3A_392 = tpu.memref_slice %arg12[%dma_wait3A_390, %dma_wait3A_391] : memref<10240x128xbf16, #tpu.memory_space<vmem_shared>> -> memref<10240x128xbf16, #tpu.memory_space<vmem_shared>>
      tpu.wait_indirect_dma semaphore(%run_scoped3A_380 : memref<!tpu.dma_semaphore, #tpu.memory_space<semaphore_mem>>) src(%arg10 : memref<112x128xbf16, #tpu.memory_space<vmem>>) dst(%dma_wait3A_392 : memref<10240x128xbf16, #tpu.memory_space<vmem_shared>>)
      tpu.yield
    }) : () -> ()
    %dma_wait3A_133 = arith.constant 0 : i32
    %dma_wait3A_134 = arith.constant 0 : i32
    %dma_wait3A_135 = arith.constant 0 : i32
    %dma_wait3A_136 = tpu.memref_slice %arg8[%dma_wait3A_133, %dma_wait3A_134, %dma_wait3A_135] : memref<2x91x112xi32, #tpu.memory_space<vmem>> -> memref<1x1x112xi32, #tpu.memory_space<vmem>>
    %dma_wait3A_137 = tpu.memref_squeeze %dma_wait3A_136 : memref<1x1x112xi32, #tpu.memory_space<vmem>> -> memref<112xi32, #tpu.memory_space<vmem>>
    %dma_wait3A_138 = arith.constant 0 : i32
    %dma_wait3A_139 = arith.constant 0 : i32
    %dma_wait3A_140 = tpu.memref_slice %arg2[%dma_wait3A_138, %dma_wait3A_139] : memref<10240x128xbf16, #tpu.memory_space<hbm>> -> memref<10240x128xbf16, #tpu.memory_space<hbm>>
    tpu.wait_indirect_dma semaphore(%arg13 : memref<!tpu.dma_semaphore, #tpu.memory_space<semaphore_mem>>) src(%dma_wait3A_140 : memref<10240x128xbf16, #tpu.memory_space<hbm>>) dst(%arg9 : memref<112x128xbf16, #tpu.memory_space<vmem>>)
    %get3A_141 = arith.constant 1 : i32
    %get3A_142 = arith.constant 90 : i32
    %get3A_143 = arith.index_cast %get3A_141 : i32 to index
    %get3A_144 = arith.index_cast %get3A_142 : i32 to index
    %get3A_145 = arith.constant 0 : index
    %get3A_146 = tpu.vector_load %arg8[%get3A_143, %get3A_144, %get3A_145] {strides = array<i32>} : memref<2x91x112xi32, #tpu.memory_space<vmem>>, vector<16xi32>,
    tpu.vector_store_idx %arg11[%get3A_146], %broadcast_in_dim3A_3 {add = true} : memref<10240xf32, #tpu.memory_space<vmem>>[vector<16xi32>], vector<16xf32>,
    %get3A_147 = arith.constant 1 : i32
    %get3A_148 = arith.constant 90 : i32
    %get3A_149 = arith.index_cast %get3A_147 : i32 to index
    %get3A_150 = arith.index_cast %get3A_148 : i32 to index
    %get3A_151 = arith.constant 16 : index
    %get3A_152 = tpu.vector_load %arg8[%get3A_149, %get3A_150, %get3A_151] {strides = array<i32>} : memref<2x91x112xi32, #tpu.memory_space<vmem>>, vector<16xi32>,
    tpu.vector_store_idx %arg11[%get3A_152], %broadcast_in_dim3A_3 {add = true} : memref<10240xf32, #tpu.memory_space<vmem>>[vector<16xi32>], vector<16xf32>,
    %get3A_153 = arith.constant 1 : i32
    %get3A_154 = arith.constant 90 : i32
    %get3A_155 = arith.index_cast %get3A_153 : i32 to index
    %get3A_156 = arith.index_cast %get3A_154 : i32 to index
    %get3A_157 = arith.constant 32 : index
    %get3A_158 = tpu.vector_load %arg8[%get3A_155, %get3A_156, %get3A_157] {strides = array<i32>} : memref<2x91x112xi32, #tpu.memory_space<vmem>>, vector<16xi32>,
    tpu.vector_store_idx %arg11[%get3A_158], %broadcast_in_dim3A_3 {add = true} : memref<10240xf32, #tpu.memory_space<vmem>>[vector<16xi32>], vector<16xf32>,
    %get3A_159 = arith.constant 1 : i32
    %get3A_160 = arith.constant 90 : i32
    %get3A_161 = arith.index_cast %get3A_159 : i32 to index
    %get3A_162 = arith.index_cast %get3A_160 : i32 to index
    %get3A_163 = arith.constant 48 : index
    %get3A_164 = tpu.vector_load %arg8[%get3A_161, %get3A_162, %get3A_163] {strides = array<i32>} : memref<2x91x112xi32, #tpu.memory_space<vmem>>, vector<16xi32>,
    tpu.vector_store_idx %arg11[%get3A_164], %broadcast_in_dim3A_3 {add = true} : memref<10240xf32, #tpu.memory_space<vmem>>[vector<16xi32>], vector<16xf32>,
    %get3A_165 = arith.constant 1 : i32
    %get3A_166 = arith.constant 90 : i32
    %get3A_167 = arith.index_cast %get3A_165 : i32 to index
    %get3A_168 = arith.index_cast %get3A_166 : i32 to index
    %get3A_169 = arith.constant 64 : index
    %get3A_170 = tpu.vector_load %arg8[%get3A_167, %get3A_168, %get3A_169] {strides = array<i32>} : memref<2x91x112xi32, #tpu.memory_space<vmem>>, vector<16xi32>,
    tpu.vector_store_idx %arg11[%get3A_170], %broadcast_in_dim3A_3 {add = true} : memref<10240xf32, #tpu.memory_space<vmem>>[vector<16xi32>], vector<16xf32>,
    %get3A_171 = arith.constant 1 : i32
    %get3A_172 = arith.constant 90 : i32
    %get3A_173 = arith.index_cast %get3A_171 : i32 to index
    %get3A_174 = arith.index_cast %get3A_172 : i32 to index
    %get3A_175 = arith.constant 80 : index
    %get3A_176 = tpu.vector_load %arg8[%get3A_173, %get3A_174, %get3A_175] {strides = array<i32>} : memref<2x91x112xi32, #tpu.memory_space<vmem>>, vector<16xi32>,
    tpu.vector_store_idx %arg11[%get3A_176], %broadcast_in_dim3A_3 {add = true} : memref<10240xf32, #tpu.memory_space<vmem>>[vector<16xi32>], vector<16xf32>,
    %get3A_177 = arith.constant 1 : i32
    %get3A_178 = arith.constant 90 : i32
    %get3A_179 = arith.index_cast %get3A_177 : i32 to index
    %get3A_180 = arith.index_cast %get3A_178 : i32 to index
    %get3A_181 = arith.constant 96 : index
    %get3A_182 = tpu.vector_load %arg8[%get3A_179, %get3A_180, %get3A_181] {strides = array<i32>} : memref<2x91x112xi32, #tpu.memory_space<vmem>>, vector<16xi32>,
    tpu.vector_store_idx %arg11[%get3A_182], %broadcast_in_dim3A_3 {add = true} : memref<10240xf32, #tpu.memory_space<vmem>>[vector<16xi32>], vector<16xf32>,
    %run_scoped3A_183 = arith.constant 1 : i32
    %run_scoped3A_184 = arith.constant 90 : i32
    "tpu.region"() ({
      %run_scoped3A_380 = tpu.sem_alloc : memref<!tpu.dma_semaphore, #tpu.memory_space<semaphore_mem>>
      %dma_start3A_381 = arith.constant 0 : i32
      %dma_start3A_382 = tpu.memref_slice %arg8[%run_scoped3A_183, %run_scoped3A_184, %dma_start3A_381] : memref<2x91x112xi32, #tpu.memory_space<vmem>> -> memref<1x1x112xi32, #tpu.memory_space<vmem>>
      %dma_start3A_383 = tpu.memref_squeeze %dma_start3A_382 : memref<1x1x112xi32, #tpu.memory_space<vmem>> -> memref<112xi32, #tpu.memory_space<vmem>>
      %dma_start3A_384 = arith.constant 0 : i32
      %dma_start3A_385 = arith.constant 0 : i32
      %dma_start3A_386 = tpu.memref_slice %arg12[%dma_start3A_384, %dma_start3A_385] : memref<10240x128xbf16, #tpu.memory_space<vmem_shared>> -> memref<10240x128xbf16, #tpu.memory_space<vmem_shared>>
      tpu.enqueue_indirect_dma source(%arg9 : memref<112x128xbf16, #tpu.memory_space<vmem>>) target(%dma_start3A_386 : memref<10240x128xbf16, #tpu.memory_space<vmem_shared>>) offsets(%dma_start3A_383 : memref<112xi32, #tpu.memory_space<vmem>>) semaphore(%run_scoped3A_380 : memref<!tpu.dma_semaphore, #tpu.memory_space<semaphore_mem>>) {add = true}
      %dma_wait3A_387 = arith.constant 0 : i32
      %dma_wait3A_388 = tpu.memref_slice %arg8[%run_scoped3A_183, %run_scoped3A_184, %dma_wait3A_387] : memref<2x91x112xi32, #tpu.memory_space<vmem>> -> memref<1x1x112xi32, #tpu.memory_space<vmem>>
      %dma_wait3A_389 = tpu.memref_squeeze %dma_wait3A_388 : memref<1x1x112xi32, #tpu.memory_space<vmem>> -> memref<112xi32, #tpu.memory_space<vmem>>
      %dma_wait3A_390 = arith.constant 0 : i32
      %dma_wait3A_391 = arith.constant 0 : i32
      %dma_wait3A_392 = tpu.memref_slice %arg12[%dma_wait3A_390, %dma_wait3A_391] : memref<10240x128xbf16, #tpu.memory_space<vmem_shared>> -> memref<10240x128xbf16, #tpu.memory_space<vmem_shared>>
      tpu.wait_indirect_dma semaphore(%run_scoped3A_380 : memref<!tpu.dma_semaphore, #tpu.memory_space<semaphore_mem>>) src(%arg9 : memref<112x128xbf16, #tpu.memory_space<vmem>>) dst(%dma_wait3A_392 : memref<10240x128xbf16, #tpu.memory_space<vmem_shared>>)
      tpu.yield
    }) : () -> ()
    %barrier3A_185 = arith.constant 0 : index
    tpu.barrier barrier_id(%barrier3A_185)
    %add3A_186 = arith.constant 0 : i32
    %add3A_187 = arith.addi %add3A_186, %arg0 : i32
    "tpu.region"() ({
      %run_scoped3A_380 = tpu.sem_alloc : memref<!tpu.dma_semaphore, #tpu.memory_space<semaphore_mem>>
      %dma_start3A_381 = arith.constant 0 : i32
      %dma_start3A_382 = tpu.memref_slice %arg6[%add3A_187, %mul3A_2, %dma_start3A_381] : memref<4x10240x128xbf16, #tpu.memory_space<hbm>> -> memref<1x640x128xbf16, #tpu.memory_space<hbm>>
      %dma_start3A_383 = tpu.memref_squeeze %dma_start3A_382 : memref<1x640x128xbf16, #tpu.memory_space<hbm>> -> memref<640x128xbf16, #tpu.memory_space<hbm>>
      %dma_start3A_384 = arith.constant 0 : i32
      %dma_start3A_385 = tpu.memref_slice %arg12[%mul3A_2, %dma_start3A_384] : memref<10240x128xbf16, #tpu.memory_space<vmem_shared>> -> memref<640x128xbf16, #tpu.memory_space<vmem_shared>>
      tpu.enqueue_dma source(%dma_start3A_385 : memref<640x128xbf16, #tpu.memory_space<vmem_shared>>) target(%dma_start3A_383 : memref<640x128xbf16, #tpu.memory_space<hbm>>) target_semaphore(%run_scoped3A_380 : memref<!tpu.dma_semaphore, #tpu.memory_space<semaphore_mem>>)
      %dma_wait3A_386 = arith.constant 0 : i32
      %dma_wait3A_387 = tpu.memref_slice %arg6[%add3A_187, %mul3A_2, %dma_wait3A_386] : memref<4x10240x128xbf16, #tpu.memory_space<hbm>> -> memref<1x640x128xbf16, #tpu.memory_space<hbm>>
      %dma_wait3A_388 = tpu.memref_squeeze %dma_wait3A_387 : memref<1x640x128xbf16, #tpu.memory_space<hbm>> -> memref<640x128xbf16, #tpu.memory_space<hbm>>
      %dma_wait3A_389 = arith.constant 0 : i32
      %dma_wait3A_390 = tpu.memref_slice %arg12[%mul3A_2, %dma_wait3A_389] : memref<10240x128xbf16, #tpu.memory_space<vmem_shared>> -> memref<640x128xbf16, #tpu.memory_space<vmem_shared>>
      tpu.wait_dma2 semaphore(%run_scoped3A_380 : memref<!tpu.dma_semaphore, #tpu.memory_space<semaphore_mem>>) src(%dma_wait3A_390 : memref<640x128xbf16, #tpu.memory_space<vmem_shared>>) dst(%dma_wait3A_388 : memref<640x128xbf16, #tpu.memory_space<hbm>>)
      tpu.yield
    }) : () -> ()
    %run_scoped3A_188 = arith.constant 0 : i32
    "tpu.region"() ({
      %run_scoped3A_380 = tpu.sem_alloc : memref<!tpu.dma_semaphore, #tpu.memory_space<semaphore_mem>>
      %dma_start3A_381 = arith.constant 0 : i32
      %dma_start3A_382 = tpu.memref_slice %arg7[%run_scoped3A_188, %add3A, %dma_start3A_381] : memref<2x32x10240xf32, #tpu.memory_space<hbm>> -> memref<1x1x10240xf32, #tpu.memory_space<hbm>>
      %dma_start3A_383 = tpu.memref_squeeze %dma_start3A_382 : memref<1x1x10240xf32, #tpu.memory_space<hbm>> -> memref<10240xf32, #tpu.memory_space<hbm>>
      %dma_start3A_384 = arith.constant 0 : i32
      %dma_start3A_385 = tpu.memref_slice %arg7[%run_scoped3A_188, %add3A, %dma_start3A_384] : memref<2x32x10240xf32, #tpu.memory_space<hbm>> -> memref<1x1x10240xf32, #tpu.memory_space<hbm>>
      %dma_start3A_386 = tpu.memref_squeeze %dma_start3A_385 : memref<1x1x10240xf32, #tpu.memory_space<hbm>> -> memref<10240xf32, #tpu.memory_space<hbm>>
      tpu.enqueue_dma source(%arg11 : memref<10240xf32, #tpu.memory_space<vmem>>) target(%dma_start3A_386 : memref<10240xf32, #tpu.memory_space<hbm>>) target_semaphore(%run_scoped3A_380 : memref<!tpu.dma_semaphore, #tpu.memory_space<semaphore_mem>>)
      %dma_wait3A_387 = arith.constant 0 : i32
      %dma_wait3A_388 = tpu.memref_slice %arg7[%run_scoped3A_188, %add3A, %dma_wait3A_387] : memref<2x32x10240xf32, #tpu.memory_space<hbm>> -> memref<1x1x10240xf32, #tpu.memory_space<hbm>>
      %dma_wait3A_389 = tpu.memref_squeeze %dma_wait3A_388 : memref<1x1x10240xf32, #tpu.memory_space<hbm>> -> memref<10240xf32, #tpu.memory_space<hbm>>
      %dma_wait3A_390 = arith.constant 0 : i32
      %dma_wait3A_391 = tpu.memref_slice %arg7[%run_scoped3A_188, %add3A, %dma_wait3A_390] : memref<2x32x10240xf32, #tpu.memory_space<hbm>> -> memref<1x1x10240xf32, #tpu.memory_space<hbm>>
      %dma_wait3A_392 = tpu.memref_squeeze %dma_wait3A_391 : memref<1x1x10240xf32, #tpu.memory_space<hbm>> -> memref<10240xf32, #tpu.memory_space<hbm>>
      tpu.wait_dma2 semaphore(%run_scoped3A_380 : memref<!tpu.dma_semaphore, #tpu.memory_space<semaphore_mem>>) src(%arg11 : memref<10240xf32, #tpu.memory_space<vmem>>) dst(%dma_wait3A_392 : memref<10240xf32, #tpu.memory_space<hbm>>)
      tpu.yield
    }) : () -> ()
    "tpu.region"() ({
      %run_scoped3A_380 = tpu.sem_alloc : memref<!tpu.dma_semaphore, #tpu.memory_space<semaphore_mem>>
      %dma_start3A_381 = arith.constant 0 : i32
      %dma_start3A_382 = tpu.memref_slice %arg12[%mul3A_2, %dma_start3A_381] : memref<10240x128xbf16, #tpu.memory_space<vmem_shared>> -> memref<640x128xbf16, #tpu.memory_space<vmem_shared>>
      tpu.enqueue_dma source(%arg4 : memref<640x128xbf16, #tpu.memory_space<hbm>>) target(%dma_start3A_382 : memref<640x128xbf16, #tpu.memory_space<vmem_shared>>) target_semaphore(%run_scoped3A_380 : memref<!tpu.dma_semaphore, #tpu.memory_space<semaphore_mem>>)
      %dma_wait3A_383 = arith.constant 0 : i32
      %dma_wait3A_384 = tpu.memref_slice %arg12[%mul3A_2, %dma_wait3A_383] : memref<10240x128xbf16, #tpu.memory_space<vmem_shared>> -> memref<640x128xbf16, #tpu.memory_space<vmem_shared>>
      tpu.wait_dma2 semaphore(%run_scoped3A_380 : memref<!tpu.dma_semaphore, #tpu.memory_space<semaphore_mem>>) src(%arg4 : memref<640x128xbf16, #tpu.memory_space<hbm>>) dst(%dma_wait3A_384 : memref<640x128xbf16, #tpu.memory_space<vmem_shared>>)
      tpu.yield
    }) : () -> ()
    "tpu.region"() ({
      %run_scoped3A_380 = tpu.sem_alloc : memref<!tpu.dma_semaphore, #tpu.memory_space<semaphore_mem>>
      tpu.enqueue_dma source(%arg5 : memref<10240xf32, #tpu.memory_space<hbm>>) target(%arg11 : memref<10240xf32, #tpu.memory_space<vmem>>) target_semaphore(%run_scoped3A_380 : memref<!tpu.dma_semaphore, #tpu.memory_space<semaphore_mem>>)
      tpu.wait_dma2 semaphore(%run_scoped3A_380 : memref<!tpu.dma_semaphore, #tpu.memory_space<semaphore_mem>>) src(%arg5 : memref<10240xf32, #tpu.memory_space<hbm>>) dst(%arg11 : memref<10240xf32, #tpu.memory_space<vmem>>)
      tpu.yield
    }) : () -> ()
    %barrier3A_189 = arith.constant 0 : index
    tpu.barrier barrier_id(%barrier3A_189)
    %dma_start3A_190 = arith.constant 1 : i32
    %dma_start3A_191 = arith.constant 0 : i32
    %dma_start3A_192 = arith.constant 0 : i32
    %dma_start3A_193 = tpu.memref_slice %arg8[%dma_start3A_190, %dma_start3A_191, %dma_start3A_192] : memref<2x91x112xi32, #tpu.memory_space<vmem>> -> memref<1x1x112xi32, #tpu.memory_space<vmem>>
    %dma_start3A_194 = tpu.memref_squeeze %dma_start3A_193 : memref<1x1x112xi32, #tpu.memory_space<vmem>> -> memref<112xi32, #tpu.memory_space<vmem>>
    %dma_start3A_195 = arith.constant 0 : i32
    %dma_start3A_196 = arith.constant 0 : i32
    %dma_start3A_197 = tpu.memref_slice %arg2[%dma_start3A_195, %dma_start3A_196] : memref<10240x128xbf16, #tpu.memory_space<hbm>> -> memref<10240x128xbf16, #tpu.memory_space<hbm>>
    tpu.enqueue_indirect_dma source(%dma_start3A_197 : memref<10240x128xbf16, #tpu.memory_space<hbm>>) target(%arg9 : memref<112x128xbf16, #tpu.memory_space<vmem>>) offsets(%dma_start3A_194 : memref<112xi32, #tpu.memory_space<vmem>>) semaphore(%arg13 : memref<!tpu.dma_semaphore, #tpu.memory_space<semaphore_mem>>)
    %scan3A_198 = arith.constant 0 : i32
    %scan3A_199 = arith.constant 0 : i32
    %scan3A_200 = arith.constant 44 : i32
    %scan3A_201 = arith.addi %scan3A_199, %scan3A_200 : i32
    %scan3A_202 = arith.constant 1 : i32
    scf.for %scan3A_380 = %scan3A_199 to %scan3A_201 step %scan3A_202  : i32 {
      %mul3A_381 = arith.constant 2 : i32
      %mul3A_382 = arith.muli %mul3A_381, %scan3A_380 : i32
      %add3A_383 = arith.constant 1 : i32
      %add3A_384 = arith.addi %mul3A_382, %add3A_383 : i32
      %dma_start3A_385 = arith.constant 1 : i32
      %dma_start3A_386 = arith.constant 0 : i32
      %dma_start3A_387 = tpu.memref_slice %arg8[%dma_start3A_385, %add3A_384, %dma_start3A_386] : memref<2x91x112xi32, #tpu.memory_space<vmem>> -> memref<1x1x112xi32, #tpu.memory_space<vmem>>
      %dma_start3A_388 = tpu.memref_squeeze %dma_start3A_387 : memref<1x1x112xi32, #tpu.memory_space<vmem>> -> memref<112xi32, #tpu.memory_space<vmem>>
      %dma_start3A_389 = arith.constant 0 : i32
      %dma_start3A_390 = arith.constant 0 : i32
      %dma_start3A_391 = tpu.memref_slice %arg2[%dma_start3A_389, %dma_start3A_390] : memref<10240x128xbf16, #tpu.memory_space<hbm>> -> memref<10240x128xbf16, #tpu.memory_space<hbm>>
      tpu.enqueue_indirect_dma source(%dma_start3A_391 : memref<10240x128xbf16, #tpu.memory_space<hbm>>) target(%arg10 : memref<112x128xbf16, #tpu.memory_space<vmem>>) offsets(%dma_start3A_388 : memref<112xi32, #tpu.memory_space<vmem>>) semaphore(%arg14 : memref<!tpu.dma_semaphore, #tpu.memory_space<semaphore_mem>>)
      %dma_wait3A_392 = arith.constant 0 : i32
      %dma_wait3A_393 = arith.constant 0 : i32
      %dma_wait3A_394 = arith.constant 0 : i32
      %dma_wait3A_395 = tpu.memref_slice %arg8[%dma_wait3A_392, %dma_wait3A_393, %dma_wait3A_394] : memref<2x91x112xi32, #tpu.memory_space<vmem>> -> memref<1x1x112xi32, #tpu.memory_space<vmem>>
      %dma_wait3A_396 = tpu.memref_squeeze %dma_wait3A_395 : memref<1x1x112xi32, #tpu.memory_space<vmem>> -> memref<112xi32, #tpu.memory_space<vmem>>
      %dma_wait3A_397 = arith.constant 0 : i32
      %dma_wait3A_398 = arith.constant 0 : i32
      %dma_wait3A_399 = tpu.memref_slice %arg2[%dma_wait3A_397, %dma_wait3A_398] : memref<10240x128xbf16, #tpu.memory_space<hbm>> -> memref<10240x128xbf16, #tpu.memory_space<hbm>>
      tpu.wait_indirect_dma semaphore(%arg13 : memref<!tpu.dma_semaphore, #tpu.memory_space<semaphore_mem>>) src(%dma_wait3A_399 : memref<10240x128xbf16, #tpu.memory_space<hbm>>) dst(%arg9 : memref<112x128xbf16, #tpu.memory_space<vmem>>)
      %get3A_400 = arith.constant 0 : i32
      %get3A_401 = arith.index_cast %get3A_400 : i32 to index
      %get3A_402 = arith.index_cast %mul3A_382 : i32 to index
      %get3A_403 = arith.constant 0 : index
      %get3A_404 = tpu.vector_load %arg8[%get3A_401, %get3A_402, %get3A_403] {strides = array<i32>} : memref<2x91x112xi32, #tpu.memory_space<vmem>>, vector<16xi32>,
      tpu.vector_store_idx %arg11[%get3A_404], %broadcast_in_dim3A_3 {add = true} : memref<10240xf32, #tpu.memory_space<vmem>>[vector<16xi32>], vector<16xf32>,
      %get3A_405 = arith.constant 0 : i32
      %get3A_406 = arith.index_cast %get3A_405 : i32 to index
      %get3A_407 = arith.index_cast %mul3A_382 : i32 to index
      %get3A_408 = arith.constant 16 : index
      %get3A_409 = tpu.vector_load %arg8[%get3A_406, %get3A_407, %get3A_408] {strides = array<i32>} : memref<2x91x112xi32, #tpu.memory_space<vmem>>, vector<16xi32>,
      tpu.vector_store_idx %arg11[%get3A_409], %broadcast_in_dim3A_3 {add = true} : memref<10240xf32, #tpu.memory_space<vmem>>[vector<16xi32>], vector<16xf32>,
      %get3A_410 = arith.constant 0 : i32
      %get3A_411 = arith.index_cast %get3A_410 : i32 to index
      %get3A_412 = arith.index_cast %mul3A_382 : i32 to index
      %get3A_413 = arith.constant 32 : index
      %get3A_414 = tpu.vector_load %arg8[%get3A_411, %get3A_412, %get3A_413] {strides = array<i32>} : memref<2x91x112xi32, #tpu.memory_space<vmem>>, vector<16xi32>,
      tpu.vector_store_idx %arg11[%get3A_414], %broadcast_in_dim3A_3 {add = true} : memref<10240xf32, #tpu.memory_space<vmem>>[vector<16xi32>], vector<16xf32>,
      %get3A_415 = arith.constant 0 : i32
      %get3A_416 = arith.index_cast %get3A_415 : i32 to index
      %get3A_417 = arith.index_cast %mul3A_382 : i32 to index
      %get3A_418 = arith.constant 48 : index
      %get3A_419 = tpu.vector_load %arg8[%get3A_416, %get3A_417, %get3A_418] {strides = array<i32>} : memref<2x91x112xi32, #tpu.memory_space<vmem>>, vector<16xi32>,
      tpu.vector_store_idx %arg11[%get3A_419], %broadcast_in_dim3A_3 {add = true} : memref<10240xf32, #tpu.memory_space<vmem>>[vector<16xi32>], vector<16xf32>,
      %get3A_420 = arith.constant 0 : i32
      %get3A_421 = arith.index_cast %get3A_420 : i32 to index
      %get3A_422 = arith.index_cast %mul3A_382 : i32 to index
      %get3A_423 = arith.constant 64 : index
      %get3A_424 = tpu.vector_load %arg8[%get3A_421, %get3A_422, %get3A_423] {strides = array<i32>} : memref<2x91x112xi32, #tpu.memory_space<vmem>>, vector<16xi32>,
      tpu.vector_store_idx %arg11[%get3A_424], %broadcast_in_dim3A_3 {add = true} : memref<10240xf32, #tpu.memory_space<vmem>>[vector<16xi32>], vector<16xf32>,
      %get3A_425 = arith.constant 0 : i32
      %get3A_426 = arith.index_cast %get3A_425 : i32 to index
      %get3A_427 = arith.index_cast %mul3A_382 : i32 to index
      %get3A_428 = arith.constant 80 : index
      %get3A_429 = tpu.vector_load %arg8[%get3A_426, %get3A_427, %get3A_428] {strides = array<i32>} : memref<2x91x112xi32, #tpu.memory_space<vmem>>, vector<16xi32>,
      tpu.vector_store_idx %arg11[%get3A_429], %broadcast_in_dim3A_3 {add = true} : memref<10240xf32, #tpu.memory_space<vmem>>[vector<16xi32>], vector<16xf32>,
      %get3A_430 = arith.constant 0 : i32
      %get3A_431 = arith.index_cast %get3A_430 : i32 to index
      %get3A_432 = arith.index_cast %mul3A_382 : i32 to index
      %get3A_433 = arith.constant 96 : index
      %get3A_434 = tpu.vector_load %arg8[%get3A_431, %get3A_432, %get3A_433] {strides = array<i32>} : memref<2x91x112xi32, #tpu.memory_space<vmem>>, vector<16xi32>,
      tpu.vector_store_idx %arg11[%get3A_434], %broadcast_in_dim3A_3 {add = true} : memref<10240xf32, #tpu.memory_space<vmem>>[vector<16xi32>], vector<16xf32>,
      %run_scoped3A_435 = arith.constant 0 : i32
      "tpu.region"() ({
        %run_scoped3A_491 = tpu.sem_alloc : memref<!tpu.dma_semaphore, #tpu.memory_space<semaphore_mem>>
        %dma_start3A_492 = arith.constant 0 : i32
        %dma_start3A_493 = tpu.memref_slice %arg8[%run_scoped3A_435, %mul3A_382, %dma_start3A_492] : memref<2x91x112xi32, #tpu.memory_space<vmem>> -> memref<1x1x112xi32, #tpu.memory_space<vmem>>
        %dma_start3A_494 = tpu.memref_squeeze %dma_start3A_493 : memref<1x1x112xi32, #tpu.memory_space<vmem>> -> memref<112xi32, #tpu.memory_space<vmem>>
        %dma_start3A_495 = arith.constant 0 : i32
        %dma_start3A_496 = arith.constant 0 : i32
        %dma_start3A_497 = tpu.memref_slice %arg12[%dma_start3A_495, %dma_start3A_496] : memref<10240x128xbf16, #tpu.memory_space<vmem_shared>> -> memref<10240x128xbf16, #tpu.memory_space<vmem_shared>>
        tpu.enqueue_indirect_dma source(%arg9 : memref<112x128xbf16, #tpu.memory_space<vmem>>) target(%dma_start3A_497 : memref<10240x128xbf16, #tpu.memory_space<vmem_shared>>) offsets(%dma_start3A_494 : memref<112xi32, #tpu.memory_space<vmem>>) semaphore(%run_scoped3A_491 : memref<!tpu.dma_semaphore, #tpu.memory_space<semaphore_mem>>) {add = true}
        %dma_wait3A_498 = arith.constant 0 : i32
        %dma_wait3A_499 = tpu.memref_slice %arg8[%run_scoped3A_435, %mul3A_382, %dma_wait3A_498] : memref<2x91x112xi32, #tpu.memory_space<vmem>> -> memref<1x1x112xi32, #tpu.memory_space<vmem>>
        %dma_wait3A_500 = tpu.memref_squeeze %dma_wait3A_499 : memref<1x1x112xi32, #tpu.memory_space<vmem>> -> memref<112xi32, #tpu.memory_space<vmem>>
        %dma_wait3A_501 = arith.constant 0 : i32
        %dma_wait3A_502 = arith.constant 0 : i32
        %dma_wait3A_503 = tpu.memref_slice %arg12[%dma_wait3A_501, %dma_wait3A_502] : memref<10240x128xbf16, #tpu.memory_space<vmem_shared>> -> memref<10240x128xbf16, #tpu.memory_space<vmem_shared>>
        tpu.wait_indirect_dma semaphore(%run_scoped3A_491 : memref<!tpu.dma_semaphore, #tpu.memory_space<semaphore_mem>>) src(%arg9 : memref<112x128xbf16, #tpu.memory_space<vmem>>) dst(%dma_wait3A_503 : memref<10240x128xbf16, #tpu.memory_space<vmem_shared>>)
        tpu.yield
      }) : () -> ()
      %add3A_436 = arith.constant 1 : i32
      %add3A_437 = arith.addi %mul3A_382, %add3A_436 : i32
      %add3A_438 = arith.constant 1 : i32
      %add3A_439 = arith.addi %add3A_437, %add3A_438 : i32
      %dma_start3A_440 = arith.constant 1 : i32
      %dma_start3A_441 = arith.constant 0 : i32
      %dma_start3A_442 = tpu.memref_slice %arg8[%dma_start3A_440, %add3A_439, %dma_start3A_441] : memref<2x91x112xi32, #tpu.memory_space<vmem>> -> memref<1x1x112xi32, #tpu.memory_space<vmem>>
      %dma_start3A_443 = tpu.memref_squeeze %dma_start3A_442 : memref<1x1x112xi32, #tpu.memory_space<vmem>> -> memref<112xi32, #tpu.memory_space<vmem>>
      %dma_start3A_444 = arith.constant 0 : i32
      %dma_start3A_445 = arith.constant 0 : i32
      %dma_start3A_446 = tpu.memref_slice %arg2[%dma_start3A_444, %dma_start3A_445] : memref<10240x128xbf16, #tpu.memory_space<hbm>> -> memref<10240x128xbf16, #tpu.memory_space<hbm>>
      tpu.enqueue_indirect_dma source(%dma_start3A_446 : memref<10240x128xbf16, #tpu.memory_space<hbm>>) target(%arg9 : memref<112x128xbf16, #tpu.memory_space<vmem>>) offsets(%dma_start3A_443 : memref<112xi32, #tpu.memory_space<vmem>>) semaphore(%arg13 : memref<!tpu.dma_semaphore, #tpu.memory_space<semaphore_mem>>)
      %dma_wait3A_447 = arith.constant 0 : i32
      %dma_wait3A_448 = arith.constant 0 : i32
      %dma_wait3A_449 = arith.constant 0 : i32
      %dma_wait3A_450 = tpu.memref_slice %arg8[%dma_wait3A_447, %dma_wait3A_448, %dma_wait3A_449] : memref<2x91x112xi32, #tpu.memory_space<vmem>> -> memref<1x1x112xi32, #tpu.memory_space<vmem>>
      %dma_wait3A_451 = tpu.memref_squeeze %dma_wait3A_450 : memref<1x1x112xi32, #tpu.memory_space<vmem>> -> memref<112xi32, #tpu.memory_space<vmem>>
      %dma_wait3A_452 = arith.constant 0 : i32
      %dma_wait3A_453 = arith.constant 0 : i32
      %dma_wait3A_454 = tpu.memref_slice %arg2[%dma_wait3A_452, %dma_wait3A_453] : memref<10240x128xbf16, #tpu.memory_space<hbm>> -> memref<10240x128xbf16, #tpu.memory_space<hbm>>
      tpu.wait_indirect_dma semaphore(%arg14 : memref<!tpu.dma_semaphore, #tpu.memory_space<semaphore_mem>>) src(%dma_wait3A_454 : memref<10240x128xbf16, #tpu.memory_space<hbm>>) dst(%arg10 : memref<112x128xbf16, #tpu.memory_space<vmem>>)
      %get3A_455 = arith.constant 0 : i32
      %get3A_456 = arith.index_cast %get3A_455 : i32 to index
      %get3A_457 = arith.index_cast %add3A_437 : i32 to index
      %get3A_458 = arith.constant 0 : index
      %get3A_459 = tpu.vector_load %arg8[%get3A_456, %get3A_457, %get3A_458] {strides = array<i32>} : memref<2x91x112xi32, #tpu.memory_space<vmem>>, vector<16xi32>,
      tpu.vector_store_idx %arg11[%get3A_459], %broadcast_in_dim3A_3 {add = true} : memref<10240xf32, #tpu.memory_space<vmem>>[vector<16xi32>], vector<16xf32>,
      %get3A_460 = arith.constant 0 : i32
      %get3A_461 = arith.index_cast %get3A_460 : i32 to index
      %get3A_462 = arith.index_cast %add3A_437 : i32 to index
      %get3A_463 = arith.constant 16 : index
      %get3A_464 = tpu.vector_load %arg8[%get3A_461, %get3A_462, %get3A_463] {strides = array<i32>} : memref<2x91x112xi32, #tpu.memory_space<vmem>>, vector<16xi32>,
      tpu.vector_store_idx %arg11[%get3A_464], %broadcast_in_dim3A_3 {add = true} : memref<10240xf32, #tpu.memory_space<vmem>>[vector<16xi32>], vector<16xf32>,
      %get3A_465 = arith.constant 0 : i32
      %get3A_466 = arith.index_cast %get3A_465 : i32 to index
      %get3A_467 = arith.index_cast %add3A_437 : i32 to index
      %get3A_468 = arith.constant 32 : index
      %get3A_469 = tpu.vector_load %arg8[%get3A_466, %get3A_467, %get3A_468] {strides = array<i32>} : memref<2x91x112xi32, #tpu.memory_space<vmem>>, vector<16xi32>,
      tpu.vector_store_idx %arg11[%get3A_469], %broadcast_in_dim3A_3 {add = true} : memref<10240xf32, #tpu.memory_space<vmem>>[vector<16xi32>], vector<16xf32>,
      %get3A_470 = arith.constant 0 : i32
      %get3A_471 = arith.index_cast %get3A_470 : i32 to index
      %get3A_472 = arith.index_cast %add3A_437 : i32 to index
      %get3A_473 = arith.constant 48 : index
      %get3A_474 = tpu.vector_load %arg8[%get3A_471, %get3A_472, %get3A_473] {strides = array<i32>} : memref<2x91x112xi32, #tpu.memory_space<vmem>>, vector<16xi32>,
      tpu.vector_store_idx %arg11[%get3A_474], %broadcast_in_dim3A_3 {add = true} : memref<10240xf32, #tpu.memory_space<vmem>>[vector<16xi32>], vector<16xf32>,
      %get3A_475 = arith.constant 0 : i32
      %get3A_476 = arith.index_cast %get3A_475 : i32 to index
      %get3A_477 = arith.index_cast %add3A_437 : i32 to index
      %get3A_478 = arith.constant 64 : index
      %get3A_479 = tpu.vector_load %arg8[%get3A_476, %get3A_477, %get3A_478] {strides = array<i32>} : memref<2x91x112xi32, #tpu.memory_space<vmem>>, vector<16xi32>,
      tpu.vector_store_idx %arg11[%get3A_479], %broadcast_in_dim3A_3 {add = true} : memref<10240xf32, #tpu.memory_space<vmem>>[vector<16xi32>], vector<16xf32>,
      %get3A_480 = arith.constant 0 : i32
      %get3A_481 = arith.index_cast %get3A_480 : i32 to index
      %get3A_482 = arith.index_cast %add3A_437 : i32 to index
      %get3A_483 = arith.constant 80 : index
      %get3A_484 = tpu.vector_load %arg8[%get3A_481, %get3A_482, %get3A_483] {strides = array<i32>} : memref<2x91x112xi32, #tpu.memory_space<vmem>>, vector<16xi32>,
      tpu.vector_store_idx %arg11[%get3A_484], %broadcast_in_dim3A_3 {add = true} : memref<10240xf32, #tpu.memory_space<vmem>>[vector<16xi32>], vector<16xf32>,
      %get3A_485 = arith.constant 0 : i32
      %get3A_486 = arith.index_cast %get3A_485 : i32 to index
      %get3A_487 = arith.index_cast %add3A_437 : i32 to index
      %get3A_488 = arith.constant 96 : index
      %get3A_489 = tpu.vector_load %arg8[%get3A_486, %get3A_487, %get3A_488] {strides = array<i32>} : memref<2x91x112xi32, #tpu.memory_space<vmem>>, vector<16xi32>,
      tpu.vector_store_idx %arg11[%get3A_489], %broadcast_in_dim3A_3 {add = true} : memref<10240xf32, #tpu.memory_space<vmem>>[vector<16xi32>], vector<16xf32>,
      %run_scoped3A_490 = arith.constant 0 : i32
      "tpu.region"() ({
        %run_scoped3A_491 = tpu.sem_alloc : memref<!tpu.dma_semaphore, #tpu.memory_space<semaphore_mem>>
        %dma_start3A_492 = arith.constant 0 : i32
        %dma_start3A_493 = tpu.memref_slice %arg8[%run_scoped3A_490, %add3A_437, %dma_start3A_492] : memref<2x91x112xi32, #tpu.memory_space<vmem>> -> memref<1x1x112xi32, #tpu.memory_space<vmem>>
        %dma_start3A_494 = tpu.memref_squeeze %dma_start3A_493 : memref<1x1x112xi32, #tpu.memory_space<vmem>> -> memref<112xi32, #tpu.memory_space<vmem>>
        %dma_start3A_495 = arith.constant 0 : i32
        %dma_start3A_496 = arith.constant 0 : i32
        %dma_start3A_497 = tpu.memref_slice %arg12[%dma_start3A_495, %dma_start3A_496] : memref<10240x128xbf16, #tpu.memory_space<vmem_shared>> -> memref<10240x128xbf16, #tpu.memory_space<vmem_shared>>
        tpu.enqueue_indirect_dma source(%arg10 : memref<112x128xbf16, #tpu.memory_space<vmem>>) target(%dma_start3A_497 : memref<10240x128xbf16, #tpu.memory_space<vmem_shared>>) offsets(%dma_start3A_494 : memref<112xi32, #tpu.memory_space<vmem>>) semaphore(%run_scoped3A_491 : memref<!tpu.dma_semaphore, #tpu.memory_space<semaphore_mem>>) {add = true}
        %dma_wait3A_498 = arith.constant 0 : i32
        %dma_wait3A_499 = tpu.memref_slice %arg8[%run_scoped3A_490, %add3A_437, %dma_wait3A_498] : memref<2x91x112xi32, #tpu.memory_space<vmem>> -> memref<1x1x112xi32, #tpu.memory_space<vmem>>
        %dma_wait3A_500 = tpu.memref_squeeze %dma_wait3A_499 : memref<1x1x112xi32, #tpu.memory_space<vmem>> -> memref<112xi32, #tpu.memory_space<vmem>>
        %dma_wait3A_501 = arith.constant 0 : i32
        %dma_wait3A_502 = arith.constant 0 : i32
        %dma_wait3A_503 = tpu.memref_slice %arg12[%dma_wait3A_501, %dma_wait3A_502] : memref<10240x128xbf16, #tpu.memory_space<vmem_shared>> -> memref<10240x128xbf16, #tpu.memory_space<vmem_shared>>
        tpu.wait_indirect_dma semaphore(%run_scoped3A_491 : memref<!tpu.dma_semaphore, #tpu.memory_space<semaphore_mem>>) src(%arg10 : memref<112x128xbf16, #tpu.memory_space<vmem>>) dst(%dma_wait3A_503 : memref<10240x128xbf16, #tpu.memory_space<vmem_shared>>)
        tpu.yield
      }) : () -> ()
    }
    %scan3A_203 = arith.constant 44 : i32
    %dma_start3A_204 = arith.constant 1 : i32
    %dma_start3A_205 = arith.constant 89 : i32
    %dma_start3A_206 = arith.constant 0 : i32
    %dma_start3A_207 = tpu.memref_slice %arg8[%dma_start3A_204, %dma_start3A_205, %dma_start3A_206] : memref<2x91x112xi32, #tpu.memory_space<vmem>> -> memref<1x1x112xi32, #tpu.memory_space<vmem>>
    %dma_start3A_208 = tpu.memref_squeeze %dma_start3A_207 : memref<1x1x112xi32, #tpu.memory_space<vmem>> -> memref<112xi32, #tpu.memory_space<vmem>>
    %dma_start3A_209 = arith.constant 0 : i32
    %dma_start3A_210 = arith.constant 0 : i32
    %dma_start3A_211 = tpu.memref_slice %arg2[%dma_start3A_209, %dma_start3A_210] : memref<10240x128xbf16, #tpu.memory_space<hbm>> -> memref<10240x128xbf16, #tpu.memory_space<hbm>>
    tpu.enqueue_indirect_dma source(%dma_start3A_211 : memref<10240x128xbf16, #tpu.memory_space<hbm>>) target(%arg10 : memref<112x128xbf16, #tpu.memory_space<vmem>>) offsets(%dma_start3A_208 : memref<112xi32, #tpu.memory_space<vmem>>) semaphore(%arg14 : memref<!tpu.dma_semaphore, #tpu.memory_space<semaphore_mem>>)
    %dma_wait3A_212 = arith.constant 0 : i32
    %dma_wait3A_213 = arith.constant 0 : i32
    %dma_wait3A_214 = arith.constant 0 : i32
    %dma_wait3A_215 = tpu.memref_slice %arg8[%dma_wait3A_212, %dma_wait3A_213, %dma_wait3A_214] : memref<2x91x112xi32, #tpu.memory_space<vmem>> -> memref<1x1x112xi32, #tpu.memory_space<vmem>>
    %dma_wait3A_216 = tpu.memref_squeeze %dma_wait3A_215 : memref<1x1x112xi32, #tpu.memory_space<vmem>> -> memref<112xi32, #tpu.memory_space<vmem>>
    %dma_wait3A_217 = arith.constant 0 : i32
    %dma_wait3A_218 = arith.constant 0 : i32
    %dma_wait3A_219 = tpu.memref_slice %arg2[%dma_wait3A_217, %dma_wait3A_218] : memref<10240x128xbf16, #tpu.memory_space<hbm>> -> memref<10240x128xbf16, #tpu.memory_space<hbm>>
    tpu.wait_indirect_dma semaphore(%arg13 : memref<!tpu.dma_semaphore, #tpu.memory_space<semaphore_mem>>) src(%dma_wait3A_219 : memref<10240x128xbf16, #tpu.memory_space<hbm>>) dst(%arg9 : memref<112x128xbf16, #tpu.memory_space<vmem>>)
    %get3A_220 = arith.constant 0 : i32
    %get3A_221 = arith.constant 88 : i32
    %get3A_222 = arith.index_cast %get3A_220 : i32 to index
    %get3A_223 = arith.index_cast %get3A_221 : i32 to index
    %get3A_224 = arith.constant 0 : index
    %get3A_225 = tpu.vector_load %arg8[%get3A_222, %get3A_223, %get3A_224] {strides = array<i32>} : memref<2x91x112xi32, #tpu.memory_space<vmem>>, vector<16xi32>,
    tpu.vector_store_idx %arg11[%get3A_225], %broadcast_in_dim3A_3 {add = true} : memref<10240xf32, #tpu.memory_space<vmem>>[vector<16xi32>], vector<16xf32>,
    %get3A_226 = arith.constant 0 : i32
    %get3A_227 = arith.constant 88 : i32
    %get3A_228 = arith.index_cast %get3A_226 : i32 to index
    %get3A_229 = arith.index_cast %get3A_227 : i32 to index
    %get3A_230 = arith.constant 16 : index
    %get3A_231 = tpu.vector_load %arg8[%get3A_228, %get3A_229, %get3A_230] {strides = array<i32>} : memref<2x91x112xi32, #tpu.memory_space<vmem>>, vector<16xi32>,
    tpu.vector_store_idx %arg11[%get3A_231], %broadcast_in_dim3A_3 {add = true} : memref<10240xf32, #tpu.memory_space<vmem>>[vector<16xi32>], vector<16xf32>,
    %get3A_232 = arith.constant 0 : i32
    %get3A_233 = arith.constant 88 : i32
    %get3A_234 = arith.index_cast %get3A_232 : i32 to index
    %get3A_235 = arith.index_cast %get3A_233 : i32 to index
    %get3A_236 = arith.constant 32 : index
    %get3A_237 = tpu.vector_load %arg8[%get3A_234, %get3A_235, %get3A_236] {strides = array<i32>} : memref<2x91x112xi32, #tpu.memory_space<vmem>>, vector<16xi32>,
    tpu.vector_store_idx %arg11[%get3A_237], %broadcast_in_dim3A_3 {add = true} : memref<10240xf32, #tpu.memory_space<vmem>>[vector<16xi32>], vector<16xf32>,
    %get3A_238 = arith.constant 0 : i32
    %get3A_239 = arith.constant 88 : i32
    %get3A_240 = arith.index_cast %get3A_238 : i32 to index
    %get3A_241 = arith.index_cast %get3A_239 : i32 to index
    %get3A_242 = arith.constant 48 : index
    %get3A_243 = tpu.vector_load %arg8[%get3A_240, %get3A_241, %get3A_242] {strides = array<i32>} : memref<2x91x112xi32, #tpu.memory_space<vmem>>, vector<16xi32>,
    tpu.vector_store_idx %arg11[%get3A_243], %broadcast_in_dim3A_3 {add = true} : memref<10240xf32, #tpu.memory_space<vmem>>[vector<16xi32>], vector<16xf32>,
    %get3A_244 = arith.constant 0 : i32
    %get3A_245 = arith.constant 88 : i32
    %get3A_246 = arith.index_cast %get3A_244 : i32 to index
    %get3A_247 = arith.index_cast %get3A_245 : i32 to index
    %get3A_248 = arith.constant 64 : index
    %get3A_249 = tpu.vector_load %arg8[%get3A_246, %get3A_247, %get3A_248] {strides = array<i32>} : memref<2x91x112xi32, #tpu.memory_space<vmem>>, vector<16xi32>,
    tpu.vector_store_idx %arg11[%get3A_249], %broadcast_in_dim3A_3 {add = true} : memref<10240xf32, #tpu.memory_space<vmem>>[vector<16xi32>], vector<16xf32>,
    %get3A_250 = arith.constant 0 : i32
    %get3A_251 = arith.constant 88 : i32
    %get3A_252 = arith.index_cast %get3A_250 : i32 to index
    %get3A_253 = arith.index_cast %get3A_251 : i32 to index
    %get3A_254 = arith.constant 80 : index
    %get3A_255 = tpu.vector_load %arg8[%get3A_252, %get3A_253, %get3A_254] {strides = array<i32>} : memref<2x91x112xi32, #tpu.memory_space<vmem>>, vector<16xi32>,
    tpu.vector_store_idx %arg11[%get3A_255], %broadcast_in_dim3A_3 {add = true} : memref<10240xf32, #tpu.memory_space<vmem>>[vector<16xi32>], vector<16xf32>,
    %get3A_256 = arith.constant 0 : i32
    %get3A_257 = arith.constant 88 : i32
    %get3A_258 = arith.index_cast %get3A_256 : i32 to index
    %get3A_259 = arith.index_cast %get3A_257 : i32 to index
    %get3A_260 = arith.constant 96 : index
    %get3A_261 = tpu.vector_load %arg8[%get3A_258, %get3A_259, %get3A_260] {strides = array<i32>} : memref<2x91x112xi32, #tpu.memory_space<vmem>>, vector<16xi32>,
    tpu.vector_store_idx %arg11[%get3A_261], %broadcast_in_dim3A_3 {add = true} : memref<10240xf32, #tpu.memory_space<vmem>>[vector<16xi32>], vector<16xf32>,
    %run_scoped3A_262 = arith.constant 0 : i32
    %run_scoped3A_263 = arith.constant 88 : i32
    "tpu.region"() ({
      %run_scoped3A_380 = tpu.sem_alloc : memref<!tpu.dma_semaphore, #tpu.memory_space<semaphore_mem>>
      %dma_start3A_381 = arith.constant 0 : i32
      %dma_start3A_382 = tpu.memref_slice %arg8[%run_scoped3A_262, %run_scoped3A_263, %dma_start3A_381] : memref<2x91x112xi32, #tpu.memory_space<vmem>> -> memref<1x1x112xi32, #tpu.memory_space<vmem>>
      %dma_start3A_383 = tpu.memref_squeeze %dma_start3A_382 : memref<1x1x112xi32, #tpu.memory_space<vmem>> -> memref<112xi32, #tpu.memory_space<vmem>>
      %dma_start3A_384 = arith.constant 0 : i32
      %dma_start3A_385 = arith.constant 0 : i32
      %dma_start3A_386 = tpu.memref_slice %arg12[%dma_start3A_384, %dma_start3A_385] : memref<10240x128xbf16, #tpu.memory_space<vmem_shared>> -> memref<10240x128xbf16, #tpu.memory_space<vmem_shared>>
      tpu.enqueue_indirect_dma source(%arg9 : memref<112x128xbf16, #tpu.memory_space<vmem>>) target(%dma_start3A_386 : memref<10240x128xbf16, #tpu.memory_space<vmem_shared>>) offsets(%dma_start3A_383 : memref<112xi32, #tpu.memory_space<vmem>>) semaphore(%run_scoped3A_380 : memref<!tpu.dma_semaphore, #tpu.memory_space<semaphore_mem>>) {add = true}
      %dma_wait3A_387 = arith.constant 0 : i32
      %dma_wait3A_388 = tpu.memref_slice %arg8[%run_scoped3A_262, %run_scoped3A_263, %dma_wait3A_387] : memref<2x91x112xi32, #tpu.memory_space<vmem>> -> memref<1x1x112xi32, #tpu.memory_space<vmem>>
      %dma_wait3A_389 = tpu.memref_squeeze %dma_wait3A_388 : memref<1x1x112xi32, #tpu.memory_space<vmem>> -> memref<112xi32, #tpu.memory_space<vmem>>
      %dma_wait3A_390 = arith.constant 0 : i32
      %dma_wait3A_391 = arith.constant 0 : i32
      %dma_wait3A_392 = tpu.memref_slice %arg12[%dma_wait3A_390, %dma_wait3A_391] : memref<10240x128xbf16, #tpu.memory_space<vmem_shared>> -> memref<10240x128xbf16, #tpu.memory_space<vmem_shared>>
      tpu.wait_indirect_dma semaphore(%run_scoped3A_380 : memref<!tpu.dma_semaphore, #tpu.memory_space<semaphore_mem>>) src(%arg9 : memref<112x128xbf16, #tpu.memory_space<vmem>>) dst(%dma_wait3A_392 : memref<10240x128xbf16, #tpu.memory_space<vmem_shared>>)
      tpu.yield
    }) : () -> ()
    %dma_start3A_264 = arith.constant 1 : i32
    %dma_start3A_265 = arith.constant 90 : i32
    %dma_start3A_266 = arith.constant 0 : i32
    %dma_start3A_267 = tpu.memref_slice %arg8[%dma_start3A_264, %dma_start3A_265, %dma_start3A_266] : memref<2x91x112xi32, #tpu.memory_space<vmem>> -> memref<1x1x112xi32, #tpu.memory_space<vmem>>
    %dma_start3A_268 = tpu.memref_squeeze %dma_start3A_267 : memref<1x1x112xi32, #tpu.memory_space<vmem>> -> memref<112xi32, #tpu.memory_space<vmem>>
    %dma_start3A_269 = arith.constant 0 : i32
    %dma_start3A_270 = arith.constant 0 : i32
    %dma_start3A_271 = tpu.memref_slice %arg2[%dma_start3A_269, %dma_start3A_270] : memref<10240x128xbf16, #tpu.memory_space<hbm>> -> memref<10240x128xbf16, #tpu.memory_space<hbm>>
    tpu.enqueue_indirect_dma source(%dma_start3A_271 : memref<10240x128xbf16, #tpu.memory_space<hbm>>) target(%arg9 : memref<112x128xbf16, #tpu.memory_space<vmem>>) offsets(%dma_start3A_268 : memref<112xi32, #tpu.memory_space<vmem>>) semaphore(%arg13 : memref<!tpu.dma_semaphore, #tpu.memory_space<semaphore_mem>>)
    %dma_wait3A_272 = arith.constant 0 : i32
    %dma_wait3A_273 = arith.constant 0 : i32
    %dma_wait3A_274 = arith.constant 0 : i32
    %dma_wait3A_275 = tpu.memref_slice %arg8[%dma_wait3A_272, %dma_wait3A_273, %dma_wait3A_274] : memref<2x91x112xi32, #tpu.memory_space<vmem>> -> memref<1x1x112xi32, #tpu.memory_space<vmem>>
    %dma_wait3A_276 = tpu.memref_squeeze %dma_wait3A_275 : memref<1x1x112xi32, #tpu.memory_space<vmem>> -> memref<112xi32, #tpu.memory_space<vmem>>
    %dma_wait3A_277 = arith.constant 0 : i32
    %dma_wait3A_278 = arith.constant 0 : i32
    %dma_wait3A_279 = tpu.memref_slice %arg2[%dma_wait3A_277, %dma_wait3A_278] : memref<10240x128xbf16, #tpu.memory_space<hbm>> -> memref<10240x128xbf16, #tpu.memory_space<hbm>>
    tpu.wait_indirect_dma semaphore(%arg14 : memref<!tpu.dma_semaphore, #tpu.memory_space<semaphore_mem>>) src(%dma_wait3A_279 : memref<10240x128xbf16, #tpu.memory_space<hbm>>) dst(%arg10 : memref<112x128xbf16, #tpu.memory_space<vmem>>)
    %get3A_280 = arith.constant 0 : i32
    %get3A_281 = arith.constant 89 : i32
    %get3A_282 = arith.index_cast %get3A_280 : i32 to index
    %get3A_283 = arith.index_cast %get3A_281 : i32 to index
    %get3A_284 = arith.constant 0 : index
    %get3A_285 = tpu.vector_load %arg8[%get3A_282, %get3A_283, %get3A_284] {strides = array<i32>} : memref<2x91x112xi32, #tpu.memory_space<vmem>>, vector<16xi32>,
    tpu.vector_store_idx %arg11[%get3A_285], %broadcast_in_dim3A_3 {add = true} : memref<10240xf32, #tpu.memory_space<vmem>>[vector<16xi32>], vector<16xf32>,
    %get3A_286 = arith.constant 0 : i32
    %get3A_287 = arith.constant 89 : i32
    %get3A_288 = arith.index_cast %get3A_286 : i32 to index
    %get3A_289 = arith.index_cast %get3A_287 : i32 to index
    %get3A_290 = arith.constant 16 : index
    %get3A_291 = tpu.vector_load %arg8[%get3A_288, %get3A_289, %get3A_290] {strides = array<i32>} : memref<2x91x112xi32, #tpu.memory_space<vmem>>, vector<16xi32>,
    tpu.vector_store_idx %arg11[%get3A_291], %broadcast_in_dim3A_3 {add = true} : memref<10240xf32, #tpu.memory_space<vmem>>[vector<16xi32>], vector<16xf32>,
    %get3A_292 = arith.constant 0 : i32
    %get3A_293 = arith.constant 89 : i32
    %get3A_294 = arith.index_cast %get3A_292 : i32 to index
    %get3A_295 = arith.index_cast %get3A_293 : i32 to index
    %get3A_296 = arith.constant 32 : index
    %get3A_297 = tpu.vector_load %arg8[%get3A_294, %get3A_295, %get3A_296] {strides = array<i32>} : memref<2x91x112xi32, #tpu.memory_space<vmem>>, vector<16xi32>,
    tpu.vector_store_idx %arg11[%get3A_297], %broadcast_in_dim3A_3 {add = true} : memref<10240xf32, #tpu.memory_space<vmem>>[vector<16xi32>], vector<16xf32>,
    %get3A_298 = arith.constant 0 : i32
    %get3A_299 = arith.constant 89 : i32
    %get3A_300 = arith.index_cast %get3A_298 : i32 to index
    %get3A_301 = arith.index_cast %get3A_299 : i32 to index
    %get3A_302 = arith.constant 48 : index
    %get3A_303 = tpu.vector_load %arg8[%get3A_300, %get3A_301, %get3A_302] {strides = array<i32>} : memref<2x91x112xi32, #tpu.memory_space<vmem>>, vector<16xi32>,
    tpu.vector_store_idx %arg11[%get3A_303], %broadcast_in_dim3A_3 {add = true} : memref<10240xf32, #tpu.memory_space<vmem>>[vector<16xi32>], vector<16xf32>,
    %get3A_304 = arith.constant 0 : i32
    %get3A_305 = arith.constant 89 : i32
    %get3A_306 = arith.index_cast %get3A_304 : i32 to index
    %get3A_307 = arith.index_cast %get3A_305 : i32 to index
    %get3A_308 = arith.constant 64 : index
    %get3A_309 = tpu.vector_load %arg8[%get3A_306, %get3A_307, %get3A_308] {strides = array<i32>} : memref<2x91x112xi32, #tpu.memory_space<vmem>>, vector<16xi32>,
    tpu.vector_store_idx %arg11[%get3A_309], %broadcast_in_dim3A_3 {add = true} : memref<10240xf32, #tpu.memory_space<vmem>>[vector<16xi32>], vector<16xf32>,
    %get3A_310 = arith.constant 0 : i32
    %get3A_311 = arith.constant 89 : i32
    %get3A_312 = arith.index_cast %get3A_310 : i32 to index
    %get3A_313 = arith.index_cast %get3A_311 : i32 to index
    %get3A_314 = arith.constant 80 : index
    %get3A_315 = tpu.vector_load %arg8[%get3A_312, %get3A_313, %get3A_314] {strides = array<i32>} : memref<2x91x112xi32, #tpu.memory_space<vmem>>, vector<16xi32>,
    tpu.vector_store_idx %arg11[%get3A_315], %broadcast_in_dim3A_3 {add = true} : memref<10240xf32, #tpu.memory_space<vmem>>[vector<16xi32>], vector<16xf32>,
    %get3A_316 = arith.constant 0 : i32
    %get3A_317 = arith.constant 89 : i32
    %get3A_318 = arith.index_cast %get3A_316 : i32 to index
    %get3A_319 = arith.index_cast %get3A_317 : i32 to index
    %get3A_320 = arith.constant 96 : index
    %get3A_321 = tpu.vector_load %arg8[%get3A_318, %get3A_319, %get3A_320] {strides = array<i32>} : memref<2x91x112xi32, #tpu.memory_space<vmem>>, vector<16xi32>,
    tpu.vector_store_idx %arg11[%get3A_321], %broadcast_in_dim3A_3 {add = true} : memref<10240xf32, #tpu.memory_space<vmem>>[vector<16xi32>], vector<16xf32>,
    %run_scoped3A_322 = arith.constant 0 : i32
    %run_scoped3A_323 = arith.constant 89 : i32
    "tpu.region"() ({
      %run_scoped3A_380 = tpu.sem_alloc : memref<!tpu.dma_semaphore, #tpu.memory_space<semaphore_mem>>
      %dma_start3A_381 = arith.constant 0 : i32
      %dma_start3A_382 = tpu.memref_slice %arg8[%run_scoped3A_322, %run_scoped3A_323, %dma_start3A_381] : memref<2x91x112xi32, #tpu.memory_space<vmem>> -> memref<1x1x112xi32, #tpu.memory_space<vmem>>
      %dma_start3A_383 = tpu.memref_squeeze %dma_start3A_382 : memref<1x1x112xi32, #tpu.memory_space<vmem>> -> memref<112xi32, #tpu.memory_space<vmem>>
      %dma_start3A_384 = arith.constant 0 : i32
      %dma_start3A_385 = arith.constant 0 : i32
      %dma_start3A_386 = tpu.memref_slice %arg12[%dma_start3A_384, %dma_start3A_385] : memref<10240x128xbf16, #tpu.memory_space<vmem_shared>> -> memref<10240x128xbf16, #tpu.memory_space<vmem_shared>>
      tpu.enqueue_indirect_dma source(%arg10 : memref<112x128xbf16, #tpu.memory_space<vmem>>) target(%dma_start3A_386 : memref<10240x128xbf16, #tpu.memory_space<vmem_shared>>) offsets(%dma_start3A_383 : memref<112xi32, #tpu.memory_space<vmem>>) semaphore(%run_scoped3A_380 : memref<!tpu.dma_semaphore, #tpu.memory_space<semaphore_mem>>) {add = true}
      %dma_wait3A_387 = arith.constant 0 : i32
      %dma_wait3A_388 = tpu.memref_slice %arg8[%run_scoped3A_322, %run_scoped3A_323, %dma_wait3A_387] : memref<2x91x112xi32, #tpu.memory_space<vmem>> -> memref<1x1x112xi32, #tpu.memory_space<vmem>>
      %dma_wait3A_389 = tpu.memref_squeeze %dma_wait3A_388 : memref<1x1x112xi32, #tpu.memory_space<vmem>> -> memref<112xi32, #tpu.memory_space<vmem>>
      %dma_wait3A_390 = arith.constant 0 : i32
      %dma_wait3A_391 = arith.constant 0 : i32
      %dma_wait3A_392 = tpu.memref_slice %arg12[%dma_wait3A_390, %dma_wait3A_391] : memref<10240x128xbf16, #tpu.memory_space<vmem_shared>> -> memref<10240x128xbf16, #tpu.memory_space<vmem_shared>>
      tpu.wait_indirect_dma semaphore(%run_scoped3A_380 : memref<!tpu.dma_semaphore, #tpu.memory_space<semaphore_mem>>) src(%arg10 : memref<112x128xbf16, #tpu.memory_space<vmem>>) dst(%dma_wait3A_392 : memref<10240x128xbf16, #tpu.memory_space<vmem_shared>>)
      tpu.yield
    }) : () -> ()
    %dma_wait3A_324 = arith.constant 0 : i32
    %dma_wait3A_325 = arith.constant 0 : i32
    %dma_wait3A_326 = arith.constant 0 : i32
    %dma_wait3A_327 = tpu.memref_slice %arg8[%dma_wait3A_324, %dma_wait3A_325, %dma_wait3A_326] : memref<2x91x112xi32, #tpu.memory_space<vmem>> -> memref<1x1x112xi32, #tpu.memory_space<vmem>>
    %dma_wait3A_328 = tpu.memref_squeeze %dma_wait3A_327 : memref<1x1x112xi32, #tpu.memory_space<vmem>> -> memref<112xi32, #tpu.memory_space<vmem>>
    %dma_wait3A_329 = arith.constant 0 : i32
    %dma_wait3A_330 = arith.constant 0 : i32
    %dma_wait3A_331 = tpu.memref_slice %arg2[%dma_wait3A_329, %dma_wait3A_330] : memref<10240x128xbf16, #tpu.memory_space<hbm>> -> memref<10240x128xbf16, #tpu.memory_space<hbm>>
    tpu.wait_indirect_dma semaphore(%arg13 : memref<!tpu.dma_semaphore, #tpu.memory_space<semaphore_mem>>) src(%dma_wait3A_331 : memref<10240x128xbf16, #tpu.memory_space<hbm>>) dst(%arg9 : memref<112x128xbf16, #tpu.memory_space<vmem>>)
    %get3A_332 = arith.constant 0 : i32
    %get3A_333 = arith.constant 90 : i32
    %get3A_334 = arith.index_cast %get3A_332 : i32 to index
    %get3A_335 = arith.index_cast %get3A_333 : i32 to index
    %get3A_336 = arith.constant 0 : index
    %get3A_337 = tpu.vector_load %arg8[%get3A_334, %get3A_335, %get3A_336] {strides = array<i32>} : memref<2x91x112xi32, #tpu.memory_space<vmem>>, vector<16xi32>,
    tpu.vector_store_idx %arg11[%get3A_337], %broadcast_in_dim3A_3 {add = true} : memref<10240xf32, #tpu.memory_space<vmem>>[vector<16xi32>], vector<16xf32>,
    %get3A_338 = arith.constant 0 : i32
    %get3A_339 = arith.constant 90 : i32
    %get3A_340 = arith.index_cast %get3A_338 : i32 to index
    %get3A_341 = arith.index_cast %get3A_339 : i32 to index
    %get3A_342 = arith.constant 16 : index
    %get3A_343 = tpu.vector_load %arg8[%get3A_340, %get3A_341, %get3A_342] {strides = array<i32>} : memref<2x91x112xi32, #tpu.memory_space<vmem>>, vector<16xi32>,
    tpu.vector_store_idx %arg11[%get3A_343], %broadcast_in_dim3A_3 {add = true} : memref<10240xf32, #tpu.memory_space<vmem>>[vector<16xi32>], vector<16xf32>,
    %get3A_344 = arith.constant 0 : i32
    %get3A_345 = arith.constant 90 : i32
    %get3A_346 = arith.index_cast %get3A_344 : i32 to index
    %get3A_347 = arith.index_cast %get3A_345 : i32 to index
    %get3A_348 = arith.constant 32 : index
    %get3A_349 = tpu.vector_load %arg8[%get3A_346, %get3A_347, %get3A_348] {strides = array<i32>} : memref<2x91x112xi32, #tpu.memory_space<vmem>>, vector<16xi32>,
    tpu.vector_store_idx %arg11[%get3A_349], %broadcast_in_dim3A_3 {add = true} : memref<10240xf32, #tpu.memory_space<vmem>>[vector<16xi32>], vector<16xf32>,
    %get3A_350 = arith.constant 0 : i32
    %get3A_351 = arith.constant 90 : i32
    %get3A_352 = arith.index_cast %get3A_350 : i32 to index
    %get3A_353 = arith.index_cast %get3A_351 : i32 to index
    %get3A_354 = arith.constant 48 : index
    %get3A_355 = tpu.vector_load %arg8[%get3A_352, %get3A_353, %get3A_354] {strides = array<i32>} : memref<2x91x112xi32, #tpu.memory_space<vmem>>, vector<16xi32>,
    tpu.vector_store_idx %arg11[%get3A_355], %broadcast_in_dim3A_3 {add = true} : memref<10240xf32, #tpu.memory_space<vmem>>[vector<16xi32>], vector<16xf32>,
    %get3A_356 = arith.constant 0 : i32
    %get3A_357 = arith.constant 90 : i32
    %get3A_358 = arith.index_cast %get3A_356 : i32 to index
    %get3A_359 = arith.index_cast %get3A_357 : i32 to index
    %get3A_360 = arith.constant 64 : index
    %get3A_361 = tpu.vector_load %arg8[%get3A_358, %get3A_359, %get3A_360] {strides = array<i32>} : memref<2x91x112xi32, #tpu.memory_space<vmem>>, vector<16xi32>,
    tpu.vector_store_idx %arg11[%get3A_361], %broadcast_in_dim3A_3 {add = true} : memref<10240xf32, #tpu.memory_space<vmem>>[vector<16xi32>], vector<16xf32>,
    %get3A_362 = arith.constant 0 : i32
    %get3A_363 = arith.constant 90 : i32
    %get3A_364 = arith.index_cast %get3A_362 : i32 to index
    %get3A_365 = arith.index_cast %get3A_363 : i32 to index
    %get3A_366 = arith.constant 80 : index
    %get3A_367 = tpu.vector_load %arg8[%get3A_364, %get3A_365, %get3A_366] {strides = array<i32>} : memref<2x91x112xi32, #tpu.memory_space<vmem>>, vector<16xi32>,
    tpu.vector_store_idx %arg11[%get3A_367], %broadcast_in_dim3A_3 {add = true} : memref<10240xf32, #tpu.memory_space<vmem>>[vector<16xi32>], vector<16xf32>,
    %get3A_368 = arith.constant 0 : i32
    %get3A_369 = arith.constant 90 : i32
    %get3A_370 = arith.index_cast %get3A_368 : i32 to index
    %get3A_371 = arith.index_cast %get3A_369 : i32 to index
    %get3A_372 = arith.constant 96 : index
    %get3A_373 = tpu.vector_load %arg8[%get3A_370, %get3A_371, %get3A_372] {strides = array<i32>} : memref<2x91x112xi32, #tpu.memory_space<vmem>>, vector<16xi32>,
    tpu.vector_store_idx %arg11[%get3A_373], %broadcast_in_dim3A_3 {add = true} : memref<10240xf32, #tpu.memory_space<vmem>>[vector<16xi32>], vector<16xf32>,
    %run_scoped3A_374 = arith.constant 0 : i32
    %run_scoped3A_375 = arith.constant 90 : i32
    "tpu.region"() ({
      %run_scoped3A_380 = tpu.sem_alloc : memref<!tpu.dma_semaphore, #tpu.memory_space<semaphore_mem>>
      %dma_start3A_381 = arith.constant 0 : i32
      %dma_start3A_382 = tpu.memref_slice %arg8[%run_scoped3A_374, %run_scoped3A_375, %dma_start3A_381] : memref<2x91x112xi32, #tpu.memory_space<vmem>> -> memref<1x1x112xi32, #tpu.memory_space<vmem>>
      %dma_start3A_383 = tpu.memref_squeeze %dma_start3A_382 : memref<1x1x112xi32, #tpu.memory_space<vmem>> -> memref<112xi32, #tpu.memory_space<vmem>>
      %dma_start3A_384 = arith.constant 0 : i32
      %dma_start3A_385 = arith.constant 0 : i32
      %dma_start3A_386 = tpu.memref_slice %arg12[%dma_start3A_384, %dma_start3A_385] : memref<10240x128xbf16, #tpu.memory_space<vmem_shared>> -> memref<10240x128xbf16, #tpu.memory_space<vmem_shared>>
      tpu.enqueue_indirect_dma source(%arg9 : memref<112x128xbf16, #tpu.memory_space<vmem>>) target(%dma_start3A_386 : memref<10240x128xbf16, #tpu.memory_space<vmem_shared>>) offsets(%dma_start3A_383 : memref<112xi32, #tpu.memory_space<vmem>>) semaphore(%run_scoped3A_380 : memref<!tpu.dma_semaphore, #tpu.memory_space<semaphore_mem>>) {add = true}
      %dma_wait3A_387 = arith.constant 0 : i32
      %dma_wait3A_388 = tpu.memref_slice %arg8[%run_scoped3A_374, %run_scoped3A_375, %dma_wait3A_387] : memref<2x91x112xi32, #tpu.memory_space<vmem>> -> memref<1x1x112xi32, #tpu.memory_space<vmem>>
      %dma_wait3A_389 = tpu.memref_squeeze %dma_wait3A_388 : memref<1x1x112xi32, #tpu.memory_space<vmem>> -> memref<112xi32, #tpu.memory_space<vmem>>
      %dma_wait3A_390 = arith.constant 0 : i32
      %dma_wait3A_391 = arith.constant 0 : i32
      %dma_wait3A_392 = tpu.memref_slice %arg12[%dma_wait3A_390, %dma_wait3A_391] : memref<10240x128xbf16, #tpu.memory_space<vmem_shared>> -> memref<10240x128xbf16, #tpu.memory_space<vmem_shared>>
      tpu.wait_indirect_dma semaphore(%run_scoped3A_380 : memref<!tpu.dma_semaphore, #tpu.memory_space<semaphore_mem>>) src(%arg9 : memref<112x128xbf16, #tpu.memory_space<vmem>>) dst(%dma_wait3A_392 : memref<10240x128xbf16, #tpu.memory_space<vmem_shared>>)
      tpu.yield
    }) : () -> ()
    %barrier3A_376 = arith.constant 0 : index
    tpu.barrier barrier_id(%barrier3A_376)
    %add3A_377 = arith.constant 2 : i32
    %add3A_378 = arith.addi %add3A_377, %arg0 : i32
    "tpu.region"() ({
      %run_scoped3A_380 = tpu.sem_alloc : memref<!tpu.dma_semaphore, #tpu.memory_space<semaphore_mem>>
      %dma_start3A_381 = arith.constant 0 : i32
      %dma_start3A_382 = tpu.memref_slice %arg6[%add3A_378, %mul3A_2, %dma_start3A_381] : memref<4x10240x128xbf16, #tpu.memory_space<hbm>> -> memref<1x640x128xbf16, #tpu.memory_space<hbm>>
      %dma_start3A_383 = tpu.memref_squeeze %dma_start3A_382 : memref<1x640x128xbf16, #tpu.memory_space<hbm>> -> memref<640x128xbf16, #tpu.memory_space<hbm>>
      %dma_start3A_384 = arith.constant 0 : i32
      %dma_start3A_385 = tpu.memref_slice %arg12[%mul3A_2, %dma_start3A_384] : memref<10240x128xbf16, #tpu.memory_space<vmem_shared>> -> memref<640x128xbf16, #tpu.memory_space<vmem_shared>>
      tpu.enqueue_dma source(%dma_start3A_385 : memref<640x128xbf16, #tpu.memory_space<vmem_shared>>) target(%dma_start3A_383 : memref<640x128xbf16, #tpu.memory_space<hbm>>) target_semaphore(%run_scoped3A_380 : memref<!tpu.dma_semaphore, #tpu.memory_space<semaphore_mem>>)
      %dma_wait3A_386 = arith.constant 0 : i32
      %dma_wait3A_387 = tpu.memref_slice %arg6[%add3A_378, %mul3A_2, %dma_wait3A_386] : memref<4x10240x128xbf16, #tpu.memory_space<hbm>> -> memref<1x640x128xbf16, #tpu.memory_space<hbm>>
      %dma_wait3A_388 = tpu.memref_squeeze %dma_wait3A_387 : memref<1x640x128xbf16, #tpu.memory_space<hbm>> -> memref<640x128xbf16, #tpu.memory_space<hbm>>
      %dma_wait3A_389 = arith.constant 0 : i32
      %dma_wait3A_390 = tpu.memref_slice %arg12[%mul3A_2, %dma_wait3A_389] : memref<10240x128xbf16, #tpu.memory_space<vmem_shared>> -> memref<640x128xbf16, #tpu.memory_space<vmem_shared>>
      tpu.wait_dma2 semaphore(%run_scoped3A_380 : memref<!tpu.dma_semaphore, #tpu.memory_space<semaphore_mem>>) src(%dma_wait3A_390 : memref<640x128xbf16, #tpu.memory_space<vmem_shared>>) dst(%dma_wait3A_388 : memref<640x128xbf16, #tpu.memory_space<hbm>>)
      tpu.yield
    }) : () -> ()
    %run_scoped3A_379 = arith.constant 1 : i32
    "tpu.region"() ({
      %run_scoped3A_380 = tpu.sem_alloc : memref<!tpu.dma_semaphore, #tpu.memory_space<semaphore_mem>>
      %dma_start3A_381 = arith.constant 0 : i32
      %dma_start3A_382 = tpu.memref_slice %arg7[%run_scoped3A_379, %add3A, %dma_start3A_381] : memref<2x32x10240xf32, #tpu.memory_space<hbm>> -> memref<1x1x10240xf32, #tpu.memory_space<hbm>>
      %dma_start3A_383 = tpu.memref_squeeze %dma_start3A_382 : memref<1x1x10240xf32, #tpu.memory_space<hbm>> -> memref<10240xf32, #tpu.memory_space<hbm>>
      %dma_start3A_384 = arith.constant 0 : i32
      %dma_start3A_385 = tpu.memref_slice %arg7[%run_scoped3A_379, %add3A, %dma_start3A_384] : memref<2x32x10240xf32, #tpu.memory_space<hbm>> -> memref<1x1x10240xf32, #tpu.memory_space<hbm>>
      %dma_start3A_386 = tpu.memref_squeeze %dma_start3A_385 : memref<1x1x10240xf32, #tpu.memory_space<hbm>> -> memref<10240xf32, #tpu.memory_space<hbm>>
      tpu.enqueue_dma source(%arg11 : memref<10240xf32, #tpu.memory_space<vmem>>) target(%dma_start3A_386 : memref<10240xf32, #tpu.memory_space<hbm>>) target_semaphore(%run_scoped3A_380 : memref<!tpu.dma_semaphore, #tpu.memory_space<semaphore_mem>>)
      %dma_wait3A_387 = arith.constant 0 : i32
      %dma_wait3A_388 = tpu.memref_slice %arg7[%run_scoped3A_379, %add3A, %dma_wait3A_387] : memref<2x32x10240xf32, #tpu.memory_space<hbm>> -> memref<1x1x10240xf32, #tpu.memory_space<hbm>>
      %dma_wait3A_389 = tpu.memref_squeeze %dma_wait3A_388 : memref<1x1x10240xf32, #tpu.memory_space<hbm>> -> memref<10240xf32, #tpu.memory_space<hbm>>
      %dma_wait3A_390 = arith.constant 0 : i32
      %dma_wait3A_391 = tpu.memref_slice %arg7[%run_scoped3A_379, %add3A, %dma_wait3A_390] : memref<2x32x10240xf32, #tpu.memory_space<hbm>> -> memref<1x1x10240xf32, #tpu.memory_space<hbm>>
      %dma_wait3A_392 = tpu.memref_squeeze %dma_wait3A_391 : memref<1x1x10240xf32, #tpu.memory_space<hbm>> -> memref<10240xf32, #tpu.memory_space<hbm>>
      tpu.wait_dma2 semaphore(%run_scoped3A_380 : memref<!tpu.dma_semaphore, #tpu.memory_space<semaphore_mem>>) src(%arg11 : memref<10240xf32, #tpu.memory_space<vmem>>) dst(%dma_wait3A_392 : memref<10240xf32, #tpu.memory_space<hbm>>)
      tpu.yield
    }) : () -> ()
    return
  }
}

module attributes {stable_mosaic.version = 14 : i64} {
  func.func @body(%arg0: i32, %arg1: memref<1000x128xf32, #tpu.memory_space<vmem>>, %arg2: memref<4x1000x128xbf16, #tpu.memory_space<vmem>>, %arg3: memref<2x1000x32xf32, #tpu.memory_space<vmem>>, %arg4: memref<128x128xf32, #tpu.memory_space<vmem>>, %arg5: memref<128x128xf32, #tpu.memory_space<vmem>>, %arg6: memref<1x128xf32, #tpu.memory_space<vmem>>, %arg7: memref<128x128xf32, #tpu.memory_space<vmem>>, %arg8: memref<128x128xf32, #tpu.memory_space<vmem>>, %arg9: memref<1x128xf32, #tpu.memory_space<vmem>>, %arg10: memref<1000x256xf32, #tpu.memory_space<vmem>>) attributes {dimension_semantics = [#tpu.dimension_semantics<arbitrary>], iteration_bounds = array<i64: 10>, scalar_prefetch = 0 : i64, scratch_operands = 0 : i64, tpu.core_type = #tpu.core_type<tc>, window_params = [{transform_indices = @transform_0, window_bounds = array<i64: 1000, 128>}, {transform_indices = @transform_1, window_bounds = array<i64: 4, 1000, 128>}, {transform_indices = @transform_2, window_bounds = array<i64: 2, 1000, 32>}, {pipeline_mode = #tpu.pipeline_mode<synchronous>, transform_indices = @transform_3, window_bounds = array<i64: 128, 128>}, {pipeline_mode = #tpu.pipeline_mode<synchronous>, transform_indices = @transform_4, window_bounds = array<i64: 128, 128>}, {pipeline_mode = #tpu.pipeline_mode<synchronous>, transform_indices = @transform_5, window_bounds = array<i64: 1, 128>}, {pipeline_mode = #tpu.pipeline_mode<synchronous>, transform_indices = @transform_6, window_bounds = array<i64: 128, 128>}, {pipeline_mode = #tpu.pipeline_mode<synchronous>, transform_indices = @transform_7, window_bounds = array<i64: 128, 128>}, {pipeline_mode = #tpu.pipeline_mode<synchronous>, transform_indices = @transform_8, window_bounds = array<i64: 1, 128>}, {transform_indices = @transform_9, window_bounds = array<i64: 1000, 256>}]} {
    %get3A = arith.constant 0 : index
    %get3A_0 = arith.constant 0 : index
    %get3A_1 = vector.load %arg1[%get3A, %get3A_0] : memref<1000x128xf32, #tpu.memory_space<vmem>>, vector<1000x128xf32>
    %get3A_2 = arith.constant 0 : index
    %get3A_3 = arith.constant 0 : index
    %get3A_4 = arith.constant 0 : index
    %get3A_5 = vector.load %arg2[%get3A_2, %get3A_3, %get3A_4] : memref<4x1000x128xbf16, #tpu.memory_space<vmem>>, vector<4x1000x128xbf16>
    %convert_element_type3A = arith.extf %get3A_5 : vector<4x1000x128xbf16> to vector<4x1000x128xf32>
    %slice3A = vector.extract_strided_slice %convert_element_type3A {offsets = [0, 0, 0], sizes = [1, 1000, 128], strides = [1, 1, 1]} : vector<4x1000x128xf32> to vector<1x1000x128xf32>
    %squeeze3A = vector.shape_cast %slice3A : vector<1x1000x128xf32> to vector<1000x128xf32>
    %slice3A_6 = vector.extract_strided_slice %convert_element_type3A {offsets = [1, 0, 0], sizes = [1, 1000, 128], strides = [1, 1, 1]} : vector<4x1000x128xf32> to vector<1x1000x128xf32>
    %squeeze3A_7 = vector.shape_cast %slice3A_6 : vector<1x1000x128xf32> to vector<1000x128xf32>
    %add3A = arith.addf %squeeze3A, %squeeze3A_7 : vector<1000x128xf32>
    %slice3A_8 = vector.extract_strided_slice %convert_element_type3A {offsets = [2, 0, 0], sizes = [1, 1000, 128], strides = [1, 1, 1]} : vector<4x1000x128xf32> to vector<1x1000x128xf32>
    %squeeze3A_9 = vector.shape_cast %slice3A_8 : vector<1x1000x128xf32> to vector<1000x128xf32>
    %slice3A_10 = vector.extract_strided_slice %convert_element_type3A {offsets = [3, 0, 0], sizes = [1, 1000, 128], strides = [1, 1, 1]} : vector<4x1000x128xf32> to vector<1x1000x128xf32>
    %squeeze3A_11 = vector.shape_cast %slice3A_10 : vector<1x1000x128xf32> to vector<1000x128xf32>
    %add3A_12 = arith.addf %squeeze3A_9, %squeeze3A_11 : vector<1000x128xf32>
    %get3A_13 = arith.constant 0 : index
    %get3A_14 = arith.constant 0 : index
    %get3A_15 = arith.constant 0 : index
    %get3A_16 = vector.load %arg3[%get3A_13, %get3A_14, %get3A_15] : memref<2x1000x32xf32, #tpu.memory_space<vmem>>, vector<2x1000x32xf32>
    %reduce_sum3A = arith.constant dense<0.000000e+00> : vector<2x1000xf32>
    %reduce_sum3A_17 = vector.multi_reduction <add>, %get3A_16, %reduce_sum3A [2] : vector<2x1000x32xf32> to vector<2x1000xf32>
    %slice3A_18 = vector.extract_strided_slice %reduce_sum3A_17 {offsets = [0, 0], sizes = [1, 1000], strides = [1, 1]} : vector<2x1000xf32> to vector<1x1000xf32>
    %squeeze3A_19 = vector.shape_cast %slice3A_18 : vector<1x1000xf32> to vector<1000xf32>
    %max3A = arith.constant 1.000000e+00 : f32
    %max3A_20 = vector.broadcast %max3A : f32 to vector<1000xf32>
    %max3A_21 = arith.maximumf %squeeze3A_19, %max3A_20 : vector<1000xf32>
    %broadcast_in_dim3A = vector.shape_cast %max3A_21 : vector<1000xf32> to vector<1000x1xf32>
    %div3A = vector.broadcast %broadcast_in_dim3A : vector<1000x1xf32> to vector<1000x128xf32>
    %div3A_22 = arith.divf %add3A, %div3A : vector<1000x128xf32>
    %slice3A_23 = vector.extract_strided_slice %reduce_sum3A_17 {offsets = [1, 0], sizes = [1, 1000], strides = [1, 1]} : vector<2x1000xf32> to vector<1x1000xf32>
    %squeeze3A_24 = vector.shape_cast %slice3A_23 : vector<1x1000xf32> to vector<1000xf32>
    %max3A_25 = arith.constant 1.000000e+00 : f32
    %max3A_26 = vector.broadcast %max3A_25 : f32 to vector<1000xf32>
    %max3A_27 = arith.maximumf %squeeze3A_24, %max3A_26 : vector<1000xf32>
    %broadcast_in_dim3A_28 = vector.shape_cast %max3A_27 : vector<1000xf32> to vector<1000x1xf32>
    %div3A_29 = vector.broadcast %broadcast_in_dim3A_28 : vector<1000x1xf32> to vector<1000x128xf32>
    %div3A_30 = arith.divf %add3A_12, %div3A_29 : vector<1000x128xf32>
    %get3A_31 = arith.constant 0 : index
    %get3A_32 = arith.constant 0 : index
    %get3A_33 = vector.load %arg4[%get3A_31, %get3A_32] : memref<128x128xf32, #tpu.memory_space<vmem>>, vector<128x128xf32>
    %dot_general3A = arith.constant dense<0.000000e+00> : vector<1000x128xf32>
    %dot_general3A_34 = tpu.matmul %div3A_22, %get3A_33, %dot_general3A {dimension_numbers = #tpu.dot_dimension_numbers<[1], [0], [0], [1], [0, 0, 1, 1], [], []>, transpose_lhs_hint = false} : vector<1000x128xf32>, vector<128x128xf32>, vector<1000x128xf32> -> vector<1000x128xf32>
    %get3A_35 = arith.constant 0 : index
    %get3A_36 = arith.constant 0 : index
    %get3A_37 = vector.load %arg5[%get3A_35, %get3A_36] : memref<128x128xf32, #tpu.memory_space<vmem>>, vector<128x128xf32>
    %dot_general3A_38 = arith.constant dense<0.000000e+00> : vector<1000x128xf32>
    %dot_general3A_39 = tpu.matmul %get3A_1, %get3A_37, %dot_general3A_38 {dimension_numbers = #tpu.dot_dimension_numbers<[1], [0], [0], [1], [0, 0, 1, 1], [], []>, transpose_lhs_hint = false} : vector<1000x128xf32>, vector<128x128xf32>, vector<1000x128xf32> -> vector<1000x128xf32>
    %add3A_40 = arith.addf %dot_general3A_34, %dot_general3A_39 : vector<1000x128xf32>
    %get3A_41 = arith.constant 0 : index
    %get3A_42 = arith.constant 0 : index
    %get3A_43 = vector.load %arg6[%get3A_41, %get3A_42] : memref<1x128xf32, #tpu.memory_space<vmem>>, vector<1x128xf32>
    %add3A_44 = vector.broadcast %get3A_43 : vector<1x128xf32> to vector<1000x128xf32>
    %add3A_45 = arith.addf %add3A_40, %add3A_44 : vector<1000x128xf32>
    %get3A_46 = arith.constant 0 : index
    %get3A_47 = arith.constant 0 : index
    %get3A_48 = vector.load %arg7[%get3A_46, %get3A_47] : memref<128x128xf32, #tpu.memory_space<vmem>>, vector<128x128xf32>
    %dot_general3A_49 = arith.constant dense<0.000000e+00> : vector<1000x128xf32>
    %dot_general3A_50 = tpu.matmul %div3A_30, %get3A_48, %dot_general3A_49 {dimension_numbers = #tpu.dot_dimension_numbers<[1], [0], [0], [1], [0, 0, 1, 1], [], []>, transpose_lhs_hint = false} : vector<1000x128xf32>, vector<128x128xf32>, vector<1000x128xf32> -> vector<1000x128xf32>
    %get3A_51 = arith.constant 0 : index
    %get3A_52 = arith.constant 0 : index
    %get3A_53 = vector.load %arg8[%get3A_51, %get3A_52] : memref<128x128xf32, #tpu.memory_space<vmem>>, vector<128x128xf32>
    %dot_general3A_54 = arith.constant dense<0.000000e+00> : vector<1000x128xf32>
    %dot_general3A_55 = tpu.matmul %get3A_1, %get3A_53, %dot_general3A_54 {dimension_numbers = #tpu.dot_dimension_numbers<[1], [0], [0], [1], [0, 0, 1, 1], [], []>, transpose_lhs_hint = false} : vector<1000x128xf32>, vector<128x128xf32>, vector<1000x128xf32> -> vector<1000x128xf32>
    %add3A_56 = arith.addf %dot_general3A_50, %dot_general3A_55 : vector<1000x128xf32>
    %get3A_57 = arith.constant 0 : index
    %get3A_58 = arith.constant 0 : index
    %get3A_59 = vector.load %arg9[%get3A_57, %get3A_58] : memref<1x128xf32, #tpu.memory_space<vmem>>, vector<1x128xf32>
    %add3A_60 = vector.broadcast %get3A_59 : vector<1x128xf32> to vector<1000x128xf32>
    %add3A_61 = arith.addf %add3A_56, %add3A_60 : vector<1000x128xf32>
    %concatenate3A = tpu.concatenate %add3A_45, %add3A_61 in 1 : vector<1000x128xf32>, vector<1000x128xf32> -> vector<1000x256xf32>
    %swap3A = arith.constant 0 : index
    %swap3A_62 = arith.constant 0 : index
    %swap3A_63 = vector.load %arg10[%swap3A, %swap3A_62] : memref<1000x256xf32, #tpu.memory_space<vmem>>, vector<1000x256xf32>
    tpu.vector_store %arg10[%swap3A, %swap3A_62], %concatenate3A {strides = array<i32>} : memref<1000x256xf32, #tpu.memory_space<vmem>>, vector<1000x256xf32>,
    return
  }
  func.func @transform_0(%arg0: i32) -> (i32, i32) {
    %c0_i32 = arith.constant 0 : i32
    %c0_i32_0 = arith.constant 0 : i32
    return %arg0, %c0_i32 : i32, i32
  }
  func.func @transform_1(%arg0: i32) -> (i32, i32, i32) {
    %c0_i32 = arith.constant 0 : i32
    %c0_i32_0 = arith.constant 0 : i32
    %c0_i32_1 = arith.constant 0 : i32
    return %c0_i32, %arg0, %c0_i32_0 : i32, i32, i32
  }
  func.func @transform_2(%arg0: i32) -> (i32, i32, i32) {
    %c0_i32 = arith.constant 0 : i32
    %c0_i32_0 = arith.constant 0 : i32
    %c0_i32_1 = arith.constant 0 : i32
    return %c0_i32, %arg0, %c0_i32_0 : i32, i32, i32
  }
  func.func @transform_3(%arg0: i32) -> (i32, i32) {
    %c0_i32 = arith.constant 0 : i32
    %c0_i32_0 = arith.constant 0 : i32
    %c0_i32_1 = arith.constant 0 : i32
    return %c0_i32, %c0_i32_0 : i32, i32
  }
  func.func @transform_4(%arg0: i32) -> (i32, i32) {
    %c0_i32 = arith.constant 0 : i32
    %c0_i32_0 = arith.constant 0 : i32
    %c0_i32_1 = arith.constant 0 : i32
    return %c0_i32, %c0_i32_0 : i32, i32
  }
  func.func @transform_5(%arg0: i32) -> (i32, i32) {
    %c0_i32 = arith.constant 0 : i32
    %c0_i32_0 = arith.constant 0 : i32
    %c0_i32_1 = arith.constant 0 : i32
    return %c0_i32, %c0_i32_0 : i32, i32
  }
  func.func @transform_6(%arg0: i32) -> (i32, i32) {
    %c0_i32 = arith.constant 0 : i32
    %c0_i32_0 = arith.constant 0 : i32
    %c0_i32_1 = arith.constant 0 : i32
    return %c0_i32, %c0_i32_0 : i32, i32
  }
  func.func @transform_7(%arg0: i32) -> (i32, i32) {
    %c0_i32 = arith.constant 0 : i32
    %c0_i32_0 = arith.constant 0 : i32
    %c0_i32_1 = arith.constant 0 : i32
    return %c0_i32, %c0_i32_0 : i32, i32
  }
  func.func @transform_8(%arg0: i32) -> (i32, i32) {
    %c0_i32 = arith.constant 0 : i32
    %c0_i32_0 = arith.constant 0 : i32
    %c0_i32_1 = arith.constant 0 : i32
    return %c0_i32, %c0_i32_0 : i32, i32
  }
  func.func @transform_9(%arg0: i32) -> (i32, i32) {
    %c0_i32 = arith.constant 0 : i32
    %c0_i32_0 = arith.constant 0 : i32
    return %arg0, %c0_i32 : i32, i32
  }
}

</mosaic_0001>

<sc_bundles>
// kernel: kernel.4.cloned.1.call-start
scs
__scs_entry_jumppad:
0x0: {  	(pc) =	sbr.rel $0x88, $3  }
0x1: {  	(tag) =	ssettag $0x0;
	lr =	simm.s32 $0x1  }
0x2: {  	[smem:$0x3F99] =	sst lr;
	_ =	strace $0xD0000000  }
0x3: {  	_ = 	snop  }
0x4: {  	_ = 	snop  }
0x5: {  	_ = 	snop  }
0x6: {  	_ = 	snop  }
0x7: {  	_ = 	snop  }
__scs_overlays_trampoline_lowered:
0x8: {  	[smem:$0x3FA8] =	sst s0  }
0x9: {  	[smem:$0x3FA9] =	sst s1  }
0xa: {  	[smem:$0x3FAA] =	sst s2  }
0xb: {  	[smem:$0x3FAB] =	sst s3  }
0xc: {  	[smem:$0x3FAC] =	sst s4  }
0xd: {  	[smem:$0x3FAD] =	sst s5  }
0xe: {  	[smem:$0x3FAE] =	sst s6  }
0xf: {  	[smem:$0x3FAF] =	sst s7  }
0x10: {  	[smem:$0x3FB0] =	sst s8  }
0x11: {  	[smem:$0x3FB1] =	sst s9;
	s0 =	simm.s32 @!p0 $0x0  }
0x12: {  	s1 =	sld [smem:$0x3F97];
	s0 =	simm.s32 @p0 $0x1  }
0x13: {  	[smem:$0x3FB2] =	sst s0;
	s0 =	simm.s32 @!p1 $0x0  }
0x14: {  	s2 =	sld [smem:$0x3F96];
	s0 =	simm.s32 @p1 $0x1  }
0x15: {  	[smem:$0x3FB3] =	sst s0;
	s0 =	simm.s32 @!p2 $0x0  }
0x16: {  	s3 =	sld [smem:$0x3FDB];
	s0 =	simm.s32 @p2 $0x1  }
0x17: {  	s4 =	simm.s32 $0x1BF5;
	[smem:$0x3FB5] =	sst s0  }
0x18: {  	s0 =	sld [smem:$0x3F98];
	_ =	swait.ge [sflag:s4], $0x0  }
0x19: {  	s7 =	sld [smem:$0x3F99]  }
0x1a: {  	s8 =	sadd.s32 $0xFFFFE003, lr  }
0x1b: {  	s9 =	sadd.s32 $0xFFFFFEF7, lr;
	s5 =	simm.s32 $0xFFFFFFFF;
	p2 =	slt.u32 s8, $0xFFFFF086  }
0x1c: {  	p1 =	slt.u32 s9, $0xF7A;
	s5 =	simm.s32 @!p2 $0x0  }
0x1d: {  	s5 =	simm.s32 @p1 $0x1;
	p0 =	seq.s32 s7, s2  }
0x1e: {  	s7 =	smul.u32 @!p0 $0xF7A, s2;
	p2 =	seq.s32 @!p0 s5, $0x0  }
0x1f: {  	s9 =	smul.u32 $0xF7A, s1;
	s8 =	simm.s32 @!p0 $0x1BF5;
	p2 =	por !p2, p0  }
0x20: {  	[sflag:s8] =	ssyncset.s32 @!p0 $0xFFFFF086;
	s6 =	sadd.s32 @!p0 s3, s7;
	s7 =	simm.s32 @!p0 $0x108  }
0x21: {  	s3 =	sadd.s32 s3, s9;
	s6 =	sadd.s32 @!p0 $0x88, s6;
	s7 =	simm.s32 @p2 $0x1082  }
0x22: {  	[simem:s7], [sflag:s8] =	dma.local @!p0 [hbm:s6], $0xF7A  }
0x23: {  	s9 =	sor.u32 $0xD0000000, s2;
	s6 =	simm.s32 $0x108;
	_ =	swait.ge @!p0 [sflag:s8], $0x0  }
0x24: {  	s3 =	sadd.s32 $0x88, s3;
	s6 =	simm.s32 @!p1 $0x1082;
	[sflag:s4] =	ssyncset.s32 $0xFFFFF086  }
0x25: {  	[simem:s6], [sflag:s4] =	dma.local [hbm:s3], $0xF7A  }
0x26: {  	[smem:$0x3F99] =	sst s1;
	(tag) =	ssettag s2;
	_ =	strace s9  }
0x27: {  	s1 =	sld [smem:$0x3FA9]  }
0x28: {  	s2 =	sld [smem:$0x3FAA]  }
0x29: {  	s4 =	sld [smem:$0x3FAC]  }
0x2a: {  	p0 =	seq.s32 s5, $0x0;
	s5 =	sld [smem:$0x3FAD]  }
0x2b: {  	s6 =	sld [smem:$0x3FAE]  }
0x2c: {  	s7 =	sld [smem:$0x3FAF]  }
0x2d: {  	s3 =	simm.s32 $0x108;
	s8 =	sld [smem:$0x3FB0]  }
0x2e: {  	s3 =	simm.s32 @!p0 $0x1082;
	s9 =	sld [smem:$0x3FB1]  }
0x2f: {  	lr =	sadd.s32 s0, s3;
	s0 =	sld [smem:$0x3FA8]  }
0x30: {  	s3 =	sld [smem:$0x3FAB]  }
0x31: {  	[smem:$0x3FB4] =	sst s10  }
0x32: {  	s10 =	sld [smem:$0x3FB2];
	_ =	sdelay $0x3  }
0x33: {  	p0 =	seq.s32 s10, $0x1;
	s10 =	sld [smem:$0x3FB4];
	_ =	sdelay $0x3  }
0x34: {  	[smem:$0x3FB4] =	sst s10  }
0x35: {  	s10 =	sld [smem:$0x3FB3];
	_ =	sdelay $0x3  }
0x36: {  	p1 =	seq.s32 s10, $0x1;
	s10 =	sld [smem:$0x3FB4];
	_ =	sdelay $0x3  }
0x37: {  	[smem:$0x3FB4] =	sst s10  }
0x38: {  	s10 =	sld [smem:$0x3FB5]  }
0x39: {  	_ = 	snop;
	(pc) =	sbr.ind lr, $3  }
0x3a: {  	_ = 	snop  }
0x3b: {  	_ = 	snop  }
0x3c: {  	p2 =	seq.s32 s10, $0x1;
	s10 =	sld [smem:$0x3FB4]  }
0x3d: {  	_ =	shalt  }
0x3e: {  	_ =	shalt  }
0x3f: {  	_ =	shalt  }
0x40: {  	_ =	shalt  }
0x41: {  	_ =	shalt  }
0x42: {  	_ =	shalt  }
0x43: {  	_ =	shalt  }
0x44: {  	_ =	shalt  }
0x45: {  	_ =	shalt  }
0x46: {  	_ =	shalt  }
0x47: {  	_ =	shalt  }
0x48: {  	_ =	shalt  }
0x49: {  	_ =	shalt  }
0x4a: {  	_ =	shalt  }
0x4b: {  	_ =	shalt  }
0x4c: {  	_ =	shalt  }
0x4d: {  	_ =	shalt  }
0x4e: {  	_ =	shalt  }
0x4f: {  	_ =	shalt  }
0x50: {  	_ =	shalt  }
0x51: {  	_ =	shalt  }
0x52: {  	_ =	shalt  }
0x53: {  	_ =	shalt  }
0x54: {  	_ =	shalt  }
0x55: {  	_ =	shalt  }
0x56: {  	_ =	shalt  }
0x57: {  	_ =	shalt  }
0x58: {  	_ =	shalt  }
0x59: {  	_ =	shalt  }
0x5a: {  	_ =	shalt  }
0x5b: {  	_ =	shalt  }
0x5c: {  	_ =	shalt  }
0x5d: {  	_ =	shalt  }
0x5e: {  	_ =	shalt  }
0x5f: {  	_ =	shalt  }
0x60: {  	_ =	shalt  }
0x61: {  	_ =	shalt  }
0x62: {  	_ =	shalt  }
0x63: {  	_ =	shalt  }
0x64: {  	_ =	shalt  }
0x65: {  	_ =	shalt  }
0x66: {  	_ =	shalt  }
0x67: {  	_ =	shalt  }
0x68: {  	_ =	shalt  }
0x69: {  	_ =	shalt  }
0x6a: {  	_ =	shalt  }
0x6b: {  	_ =	shalt  }
0x6c: {  	_ =	shalt  }
0x6d: {  	_ =	shalt  }
0x6e: {  	_ =	shalt  }
0x6f: {  	_ =	shalt  }
0x70: {  	_ =	shalt  }
0x71: {  	_ =	shalt  }
0x72: {  	_ =	shalt  }
0x73: {  	_ =	shalt  }
0x74: {  	_ =	shalt  }
0x75: {  	_ =	shalt  }
0x76: {  	_ =	shalt  }
0x77: {  	_ =	shalt  }
0x78: {  	_ =	shalt  }
0x79: {  	_ =	shalt  }
0x7a: {  	_ =	shalt  }
0x7b: {  	_ =	shalt  }
0x7c: {  	_ =	shalt  }
0x7d: {  	_ =	shalt  }
0x7e: {  	_ =	shalt  }
0x7f: {  	_ =	shalt  }
0x80: {  	_ =	shalt  }
0x81: {  	_ =	shalt  }
0x82: {  	_ =	shalt  }
0x83: {  	_ =	shalt  }
0x84: {  	_ =	shalt  }
0x85: {  	_ =	shalt  }
0x86: {  	_ =	shalt  }
0x87: {  	_ =	shalt  }
.Lfunc_end0:
.L_simem_size_0:
called_computation_lowered:
.L_overlay_start_0:
0x88: {  	s2 =	sld [smem:$0x3FD9]  }
0x89: {  	s3 =	sld [smem:$0x3FFE];
	_ =	sdelay $0x1  }
0x8a: {  	s1 =	srdreg.scid  }
0x8b: {  	s0 =	sand.u32 $0x1, s1  }
0x8c: {  	s17 =	sshll.u32 s0, $0xA;
	s2 =	sadd.s32 s3, s2  }
0x8d: {  	s2 =	sadd.s32 s2, s17  }
0x8e: {  	[smem:$0x3FC0] =	sst s2  }
0x8f: {  	_ = 	snop  }
0x90: {  	s2 =	sld [smem:$0x3FD0];
	(tm) =	ssettm $0x1  }
0x91: {  	s18 =	sld [smem:$0x3FFB];
	_ =	sdelay $0x3  }
0x92: {  	_ =	strace s18  }
0x93: {  	s3 =	sld [smem:$0x3FFC];
	_ =	sdelay $0x3  }
0x94: {  	_ =	strace s3  }
0x95: {  	s3 =	sld [smem:$0x3FFD];
	_ =	sdelay $0x3  }
0x96: {  	_ =	strace s3  }
0x97: {  	_ =	strace $0x8FFFFFFF  }
0x98: {  	s19 =	sld [smem:$0x3FDB];
	_ =	sdelay $0x1  }
0x99: {  	s4 =	simm.s32 $_scs_section_size  }
0x9a: {  	s5 =	simm.s32 $_size__tile_overlayer_lowered;
	s6 =	simm.s32 $_tile_overlayer_lowered  }
0x9b: {  	s22 =	simm.s32 $0x1BFF;
	s21 =	sshll.u32 s6, $0x1;
	s3 =	sadd.s32 s4, s19  }
0x9c: {  	s7 =	simm.s32 $0x0;
	s20 =	sshll.u32 s5, $0x1;
	s5 =	sadd.s32 s21, s3  }
0x9d: {  	[timem:s7], [sflag:s22] =	dma.local [hbm:s5], s20  }
0x9e: {  	_ =	swait.ge [sflag:s22], s20  }
0x9f: {  	s4 =	ssub.s32 $0x0, s20;
	[sflag:s22] =	ssyncset.done $0x0  }
0xa0: {  	[sflag:s22] =	ssyncadd.s32 s4;
	_ =	sdelay $0x1  }
0xa1: {  	s23 =	simm.s32 $0x1B8B  }
0xa2: {  	_ =	swait.ge [sflag:s23], $0x1  }
0xa3: {  	[sflag:s23] =	ssyncset.done $0x0  }
0xa4: {  	s25 =	simm.s32 $0x1B8E;
	s24 =	sld [smem:$0x3FFE];
	[sflag:s23] =	ssyncadd.s32 $0xFFFFFFFF  }
0xa5: {  	s26 =	simm.s32 $execute0_lowered;
	[smem:$0x3FD2] =	sst s25  }
0xa6: {  	s5 =	sshll.u32 s26, $0x1;
	_ =	strace $0x80000046;
	[dreg:$0x1] =	wrdreg $0xFFFFFFFF  }
0xa7: {  	s28 =	simm.s32 $_size_execute0_lowered;
	s3 =	sadd.s32 s3, s5;
	[dreg:$0x0] =	wrdreg $0x0  }
0xa8: {  	s5 =	sshll.u32 s28, $0x1;
	[dreg:$0x2] =	wrdreg s3  }
0xa9: {  	[dreg:$0x3] =	wrdreg s5  }
0xaa: {  	[dreg:$0x4] =	wrdreg $0xC0  }
0xab: {  	_ =	task [dreg:s7], $0x5FFFF  }
0xac: {  	[dreg:$0x1] =	wrdreg $0xFFFFFFFF  }
0xad: {  	[dreg:$0x0] =	wrdreg $0x60  }
0xae: {  	[dreg:$0x2] =	wrdreg s2  }
0xaf: {  	[dreg:$0x3] =	wrdreg s24  }
0xb0: {  	[dreg:$0x4] =	wrdreg $0xAFA00  }
0xb1: {  	[dreg:$0x5] =	wrdreg $0x9  }
0xb2: {  	_ =	task.clear_ibuf [dreg:s7], $0x6FFFF;
	_ =	strace $0x90000046  }
0xb3: {  	s29 =	simm.s32 $0x9;
	_ =	strace $0x80000048  }
0xb4: {  	_ =	swait.ge [sflag:s29], $0x1  }
0xb5: {  	[sflag:s29] =	ssyncadd.s32 $0xFFFFFFFF  }
0xb6: {  	_ =	strace $0x90000048  }
0xb7: {  	_ =	sfence  }
0xb8: {  	s30 =	sld [smem:$0x0];
	_ =	sdelay $0x2  }
0xb9: {  	s31 =	sshll.u32 s1, $0xD;
	s1 =	sshrl.u32 s1, $0x2  }
0xba: {  	s3 =	sand.u32 $0x4000, s31;
	s1 =	sadd.s32 s1, s30  }
0xbb: {  	s0 =	sor.u32 s3, s0;
	s1 =	sshll.u32 s1, $0x11  }
0xbc: {  	s0 =	sor.u32 s1, s0  }
0xbd: {  	s0 =	sadd.s32 $0x8F2B, s0  }
0xbe: {  	[sflag:s0] =	ssyncadd.remote.s32 $0x1  }
0xbf: {  	_ =	sfence.sel $0xFFFF  }
0xc0: {  	[dreg:$0x0] =	wrdreg $0xFFFFFFFF;
	(pc) =	sbr.abs _section_cstart, $3  }
0xc1: {  	[dreg:$0x1] =	wrdreg $0xFFFFFFFF  }
0xc2: {  	_ =	task.clear_ibuf [dreg:s7], $0x2FFFF;
	_ =	strace $0x9FFFFFFF  }
0xc3: {  	(tm) =	ssettm $0x7FFFFFFF  }
tec
execute0_lowered:
.L_overlay_start_1:
0x0: {  	(tag) =	ssettag $0x1  }
0x1: {  	s2 =	srdreg.scid;
	s1 =	rddreg [dreg:$0x0]  }
0x2: {  	s0 =	stileid.u32;
	s8 =	rddreg [dreg:$0x1]  }
0x3: {  	s3 =	rddreg [dreg:$0x2];
	s4 =	simm.s32 $0x0;
	s16 =	simm.s32 $0x87A0  }
0x4: {  	s17 =	simm.s32 $0x70;
	s18 =	simm.s32 $0x4FA0;
	s19 =	simm.s32 $0x6BA0  }
0x5: {  	s20 =	simm.s32 $0x1;
	s21 =	simm.s32 $0x2;
	s22 =	simm.s32 $0x26F0  }
0x6: {  	s23 =	simm.s32 $0x4E50;
	s24 =	simm.s32 $0x2760;
	s28 =	simm.s32 $0x27D0  }
0x7: {  	s29 =	simm.s32 $0x2680;
	s30 =	simm.s32 $0x0;
	s7 =	sand.u32 $0x1, s2  }
0x8: {  	s25 =	sshll.u32 s0, $0x1;
	s9 =	smul.u32 $0x14000, s0;
	[smem:$0x7FF] =	sst s4  }
0x9: {  	s14 =	sshll.u32 s0, $0x6;
	s5 =	sor.u32 s7, s25;
	s10 =	smul.u32 $0x140000, s7  }
0xa: {  	_ =	strace $0x80000047;
	s7 =	ssub.s32 $0x2, s7;
	s6 =	smul.u32 $0x9F4, s5  }
0xb: {  	s14 =	sor.u32 $0x1C03, s14;
	s25 =	simm.s32 $0x4EC0;
	s12 =	smul.u32 $0x2800, s5  }
0xc: {  	s5 =	sadd.s32 $0x2000, s8;
	s26 =	sshrl.u32 s7, $0x1;
	s31 =	sshrl.u32 s9, $0x1  }
0xd: {  	s10 =	sadd.s32 s9, s10;
	s13 =	ssub.s32 s7, s26;
	s15 =	sadd.s32 s31, s3  }
0xe: {  	s26 =	simm.s32 $0x4F30;
	s11 =	sadd.s32 s6, s8;
	s6 =	sadd.s32 $0x17400, s8  }
0xf: {  	s10 =	sshrl.u32 s10, $0x4;
	s12 =	sshrl.u32 s12, $0x3;
	s15 =	sshrl.u32 s15, $0x3  }
0x10: {  	s10 =	sadd.s32 s10, s8;
	s12 =	sadd.s32 s12, s8;
	s7 =	sadd.s32 $0x3400, s11  }
0x11: {  	s8 =	sadd.s32 $0x17A00, s10;
	s9 =	sadd.s32 $0x67A00, s12;
	s10 =	sadd.s32 $0x3FA00, s10  }
0x12: {  	v0 =	vimm.f32 $1.000000000e+00;
	s11 =	sadd.s32 $0x71A00, s12;
	s12 =	smax.u32 s13, $0x1;
	s13 =	simm.s32 $0x3  }
.LBB2_1:
0x13: {  	[tilespmem:s4], [sflag:$0x3] =	stream.linear.gather [hbm4b:s7+s4], $0x4FA0, $0x38;
	[tilespmem:$0x14FA0] =	vst v63  }
0x14: {  	_ =	swait.ge [sflag:s13], $0x4FA0  }
0x15: {  	[sflag:s13] =	ssyncset.done $0x0  }
0x16: {  	[sflag:s13] =	ssyncadd.s32 $0xFFFFB060  }
0x17: {  	[spmem:s15], [sflag:s14] =	dma.local [hbm:s5], $0x1400  }
0x18: {  	_ =	swait.ge [sflag:s13], $0x1400  }
0x19: {  	[sflag:s13] =	ssyncset.done $0x0  }
0x1a: {  	[sflag:s13] =	ssyncadd.s32 $0xFFFFEC00  }
0x1b: {  	[tilespmem:s16], [sflag:$0x3] =	stream.linear.gather [hbm4b:s6+s4], $0x2800, $0x38;
	[tilespmem:$0x14FA0] =	vst v63  }
0x1c: {  	_ =	swait.ge [sflag:s13], $0x2800  }
0x1d: {  	[sflag:s13] =	ssyncset.done $0x0  }
0x1e: {  	[sflag:s13] =	ssyncadd.s32 $0xFFFFD800  }
0x1f: {  	s31 =	simm.s32 $0x0;
	[bflag:$0x0] =	sbarrier.arrive $0xFFFF  }
0x20: {  	[tilespmem:s18], [sflag:$0x1] =	stream.indirect.gather [hbm4b:s1+s17], $0x40, s4, s17, $0xb8;
	[tilespmem:$0x14FA0] =	vst v63  }
.LBB2_2:
0x21: {  	s2 =	sshra.s32 s31, $0x2  }
0x22: {  	s0 =	sadd.s32 $0x70, s2  }
0x23: {  	[tilespmem:s19], [sflag:$0x2] =	stream.indirect.gather [hbm4b:s1+s17], $0x40, s0, s17, $0xb8;
	[tilespmem:$0x14FA0] =	vst v63  }
0x24: {  	_ =	swait.ge [sflag:s20], $0x1C00  }
0x25: {  	[sflag:s20] =	ssyncset.done $0x0  }
0x26: {  	[sflag:s20] =	ssyncadd.s32 $0xFFFFE400  }
0x27: {  	v1 =	vld [tilespmem:s2+$0x27D0];
	_ =	sdelay $0x7  }
0x28: {  	[tilespmem:v1+s16+$0x0] =	vst.idx.add.f32.msk $0xffff, v0  }
0x29: {  	v1 =	vld [tilespmem:s2+$0x27E0];
	_ =	sdelay $0x7  }
0x2a: {  	[tilespmem:v1+s16+$0x0] =	vst.idx.add.f32.msk $0xffff, v0  }
0x2b: {  	v1 =	vld [tilespmem:s2+$0x27F0];
	_ =	sdelay $0x7  }
0x2c: {  	[tilespmem:v1+s16+$0x0] =	vst.idx.add.f32.msk $0xffff, v0  }
0x2d: {  	v1 =	vld [tilespmem:s2+$0x2800];
	_ =	sdelay $0x7  }
0x2e: {  	[tilespmem:v1+s16+$0x0] =	vst.idx.add.f32.msk $0xffff, v0  }
0x2f: {  	v1 =	vld [tilespmem:s2+$0x2810];
	_ =	sdelay $0x7  }
0x30: {  	[tilespmem:v1+s16+$0x0] =	vst.idx.add.f32.msk $0xffff, v0  }
0x31: {  	v1 =	vld [tilespmem:s2+$0x2820];
	_ =	sdelay $0x7  }
0x32: {  	[tilespmem:v1+s16+$0x0] =	vst.idx.add.f32.msk $0xffff, v0  }
0x33: {  	v1 =	vld [tilespmem:s2+$0x2830];
	_ =	sdelay $0x7  }
0x34: {  	s0 =	sadd.s32 $0x27D0, s2;
	[tilespmem:v1+s16+$0x0] =	vst.idx.add.f32.msk $0xffff, v0  }
0x35: {  	[spmem:s3] =	stream.indirect.scatter.add.bf16 [tilespmem:s18], [sflag:$0x3], $0x40, s0, s17, $0xb8;
	[tilespmem:$0x14FA0] =	vst v63  }
0x36: {  	_ =	swait.ge [sflag:s13], $0x1C00  }
0x37: {  	[sflag:s13] =	ssyncset.done $0x0  }
0x38: {  	s0 =	sadd.s32 $0xE0, s2;
	[sflag:s13] =	ssyncadd.s32 $0xFFFFE400  }
0x39: {  	[tilespmem:s18], [sflag:$0x1] =	stream.indirect.gather [hbm4b:s1+s17], $0x40, s0, s17, $0xb8;
	[tilespmem:$0x14FA0] =	vst v63  }
0x3a: {  	_ =	swait.ge [sflag:s21], $0x1C00  }
0x3b: {  	[sflag:s21] =	ssyncset.done $0x0  }
0x3c: {  	[sflag:s21] =	ssyncadd.s32 $0xFFFFE400  }
0x3d: {  	v1 =	vld [tilespmem:s2+$0x2840];
	_ =	sdelay $0x7  }
0x3e: {  	[tilespmem:v1+s16+$0x0] =	vst.idx.add.f32.msk $0xffff, v0  }
0x3f: {  	v1 =	vld [tilespmem:s2+$0x2850];
	_ =	sdelay $0x7  }
0x40: {  	[tilespmem:v1+s16+$0x0] =	vst.idx.add.f32.msk $0xffff, v0  }
0x41: {  	v1 =	vld [tilespmem:s2+$0x2860];
	_ =	sdelay $0x7  }
0x42: {  	[tilespmem:v1+s16+$0x0] =	vst.idx.add.f32.msk $0xffff, v0  }
0x43: {  	v1 =	vld [tilespmem:s2+$0x2870];
	_ =	sdelay $0x7  }
0x44: {  	[tilespmem:v1+s16+$0x0] =	vst.idx.add.f32.msk $0xffff, v0  }
0x45: {  	v1 =	vld [tilespmem:s2+$0x2880];
	_ =	sdelay $0x7  }
0x46: {  	[tilespmem:v1+s16+$0x0] =	vst.idx.add.f32.msk $0xffff, v0  }
0x47: {  	v1 =	vld [tilespmem:s2+$0x2890];
	_ =	sdelay $0x7  }
0x48: {  	[tilespmem:v1+s16+$0x0] =	vst.idx.add.f32.msk $0xffff, v0  }
0x49: {  	v1 =	vld [tilespmem:s2+$0x28A0];
	_ =	sdelay $0x6  }
0x4a: {  	p0 =	sne.s32 s31, $0x9680  }
.Ltmp0:
0x4b: {  	s2 =	sadd.s32 $0x2840, s2;
	[tilespmem:v1+s16+$0x0] =	vst.idx.add.f32.msk $0xffff, v0;
	(pc) =	sbr.rel @p0 .LBB2_2-.Ltmp0, $4  }
0x4c: {  	[spmem:s3] =	stream.indirect.scatter.add.bf16 [tilespmem:s19], [sflag:$0x3], $0x40, s2, s17, $0xb8;
	[tilespmem:$0x14FA0] =	vst v63  }
0x4d: {  	_ =	swait.ge [sflag:s13], $0x1C00  }
0x4e: {  	[sflag:s13] =	ssyncset.done $0x0  }
0x4f: {  	s31 =	sadd.s32 $0x380, s31;
	[sflag:s13] =	ssyncadd.s32 $0xFFFFE400  }
0x50: {  	[tilespmem:s19], [sflag:$0x2] =	stream.indirect.gather [hbm4b:s1+s17], $0x40, s22, s17, $0xb8;
	[tilespmem:$0x14FA0] =	vst v63  }
0x51: {  	_ =	swait.ge [sflag:s20], $0x1C00  }
0x52: {  	[sflag:s20] =	ssyncset.done $0x0  }
0x53: {  	[sflag:s20] =	ssyncadd.s32 $0xFFFFE400  }
0x54: {  	v1 =	vld [tilespmem:$0x4E50];
	_ =	sdelay $0x7  }
0x55: {  	[tilespmem:v1+s16+$0x0] =	vst.idx.add.f32.msk $0xffff, v0  }
0x56: {  	v1 =	vld [tilespmem:$0x4E60];
	_ =	sdelay $0x7  }
0x57: {  	[tilespmem:v1+s16+$0x0] =	vst.idx.add.f32.msk $0xffff, v0  }
0x58: {  	v1 =	vld [tilespmem:$0x4E70];
	_ =	sdelay $0x7  }
0x59: {  	[tilespmem:v1+s16+$0x0] =	vst.idx.add.f32.msk $0xffff, v0  }
0x5a: {  	v1 =	vld [tilespmem:$0x4E80];
	_ =	sdelay $0x7  }
0x5b: {  	[tilespmem:v1+s16+$0x0] =	vst.idx.add.f32.msk $0xffff, v0  }
0x5c: {  	v1 =	vld [tilespmem:$0x4E90];
	_ =	sdelay $0x7  }
0x5d: {  	[tilespmem:v1+s16+$0x0] =	vst.idx.add.f32.msk $0xffff, v0  }
0x5e: {  	v1 =	vld [tilespmem:$0x4EA0];
	_ =	sdelay $0x7  }
0x5f: {  	[tilespmem:v1+s16+$0x0] =	vst.idx.add.f32.msk $0xffff, v0  }
0x60: {  	v1 =	vld [tilespmem:$0x4EB0];
	_ =	sdelay $0x7  }
0x61: {  	[tilespmem:v1+s16+$0x0] =	vst.idx.add.f32.msk $0xffff, v0  }
0x62: {  	[spmem:s3] =	stream.indirect.scatter.add.bf16 [tilespmem:s18], [sflag:$0x3], $0x40, s23, s17, $0xb8;
	[tilespmem:$0x14FA0] =	vst v63  }
0x63: {  	_ =	swait.ge [sflag:s13], $0x1C00  }
0x64: {  	[sflag:s13] =	ssyncset.done $0x0  }
0x65: {  	[sflag:s13] =	ssyncadd.s32 $0xFFFFE400  }
0x66: {  	[tilespmem:s18], [sflag:$0x1] =	stream.indirect.gather [hbm4b:s1+s17], $0x40, s24, s17, $0xb8;
	[tilespmem:$0x14FA0] =	vst v63  }
0x67: {  	_ =	swait.ge [sflag:s21], $0x1C00  }
0x68: {  	[sflag:s21] =	ssyncset.done $0x0  }
0x69: {  	[sflag:s21] =	ssyncadd.s32 $0xFFFFE400  }
0x6a: {  	v1 =	vld [tilespmem:$0x4EC0];
	_ =	sdelay $0x7  }
0x6b: {  	[tilespmem:v1+s16+$0x0] =	vst.idx.add.f32.msk $0xffff, v0  }
0x6c: {  	v1 =	vld [tilespmem:$0x4ED0];
	_ =	sdelay $0x7  }
0x6d: {  	[tilespmem:v1+s16+$0x0] =	vst.idx.add.f32.msk $0xffff, v0  }
0x6e: {  	v1 =	vld [tilespmem:$0x4EE0];
	_ =	sdelay $0x7  }
0x6f: {  	[tilespmem:v1+s16+$0x0] =	vst.idx.add.f32.msk $0xffff, v0  }
0x70: {  	v1 =	vld [tilespmem:$0x4EF0];
	_ =	sdelay $0x7  }
0x71: {  	[tilespmem:v1+s16+$0x0] =	vst.idx.add.f32.msk $0xffff, v0  }
0x72: {  	v1 =	vld [tilespmem:$0x4F00];
	_ =	sdelay $0x7  }
0x73: {  	[tilespmem:v1+s16+$0x0] =	vst.idx.add.f32.msk $0xffff, v0  }
0x74: {  	v1 =	vld [tilespmem:$0x4F10];
	_ =	sdelay $0x7  }
0x75: {  	[tilespmem:v1+s16+$0x0] =	vst.idx.add.f32.msk $0xffff, v0  }
0x76: {  	v1 =	vld [tilespmem:$0x4F20];
	_ =	sdelay $0x7  }
0x77: {  	[tilespmem:v1+s16+$0x0] =	vst.idx.add.f32.msk $0xffff, v0  }
0x78: {  	[spmem:s3] =	stream.indirect.scatter.add.bf16 [tilespmem:s19], [sflag:$0x3], $0x40, s25, s17, $0xb8;
	[tilespmem:$0x14FA0] =	vst v63  }
0x79: {  	_ =	swait.ge [sflag:s13], $0x1C00  }
0x7a: {  	[sflag:s13] =	ssyncset.done $0x0  }
0x7b: {  	[sflag:s13] =	ssyncadd.s32 $0xFFFFE400  }
0x7c: {  	_ =	swait.ge [sflag:s20], $0x1C00  }
0x7d: {  	[sflag:s20] =	ssyncset.done $0x0  }
0x7e: {  	[sflag:s20] =	ssyncadd.s32 $0xFFFFE400  }
0x7f: {  	v1 =	vld [tilespmem:$0x4F30];
	_ =	sdelay $0x7  }
0x80: {  	[tilespmem:v1+s16+$0x0] =	vst.idx.add.f32.msk $0xffff, v0  }
0x81: {  	v1 =	vld [tilespmem:$0x4F40];
	_ =	sdelay $0x7  }
0x82: {  	[tilespmem:v1+s16+$0x0] =	vst.idx.add.f32.msk $0xffff, v0  }
0x83: {  	v1 =	vld [tilespmem:$0x4F50];
	_ =	sdelay $0x7  }
0x84: {  	[tilespmem:v1+s16+$0x0] =	vst.idx.add.f32.msk $0xffff, v0  }
0x85: {  	v1 =	vld [tilespmem:$0x4F60];
	_ =	sdelay $0x7  }
0x86: {  	[tilespmem:v1+s16+$0x0] =	vst.idx.add.f32.msk $0xffff, v0  }
0x87: {  	v1 =	vld [tilespmem:$0x4F70];
	_ =	sdelay $0x7  }
0x88: {  	[tilespmem:v1+s16+$0x0] =	vst.idx.add.f32.msk $0xffff, v0  }
0x89: {  	v1 =	vld [tilespmem:$0x4F80];
	_ =	sdelay $0x7  }
0x8a: {  	[tilespmem:v1+s16+$0x0] =	vst.idx.add.f32.msk $0xffff, v0  }
0x8b: {  	v1 =	vld [tilespmem:$0x4F90];
	_ =	sdelay $0x7  }
0x8c: {  	[tilespmem:v1+s16+$0x0] =	vst.idx.add.f32.msk $0xffff, v0  }
0x8d: {  	[spmem:s3] =	stream.indirect.scatter.add.bf16 [tilespmem:s18], [sflag:$0x3], $0x40, s26, s17, $0xb8;
	[tilespmem:$0x14FA0] =	vst v63  }
0x8e: {  	_ =	swait.ge [sflag:s13], $0x1C00  }
0x8f: {  	[sflag:s13] =	ssyncset.done $0x0  }
0x90: {  	[sflag:s13] =	ssyncadd.s32 $0xFFFFE400  }
0x91: {  	[bflag:$0x0] =	sbarrier.arrive $0xFFFF  }
0x92: {  	[hbm:s8], [sflag:s14] =	dma.local [spmem:s15], $0x1400  }
0x93: {  	_ =	swait.ge [sflag:s13], $0x1400  }
0x94: {  	[sflag:s13] =	ssyncset.done $0x0  }
0x95: {  	s31 =	simm.s32 $0x0;
	[sflag:s13] =	ssyncadd.s32 $0xFFFFEC00  }
0x96: {  	[hbm4b:s9+s31] =	stream.linear.scatter [tilespmem:s16], [sflag:$0x3], $0x2800, $0x38;
	[tilespmem:$0x14FA0] =	vst v63  }
0x97: {  	_ =	swait.ge [sflag:s13], $0x2800  }
0x98: {  	[sflag:s13] =	ssyncset.done $0x0  }
0x99: {  	[sflag:s13] =	ssyncadd.s32 $0xFFFFD800  }
0x9a: {  	[spmem:s15], [sflag:s14] =	dma.local [hbm:s5], $0x1400  }
0x9b: {  	_ =	swait.ge [sflag:s13], $0x1400  }
0x9c: {  	[sflag:s13] =	ssyncset.done $0x0  }
0x9d: {  	[sflag:s13] =	ssyncadd.s32 $0xFFFFEC00  }
0x9e: {  	[tilespmem:s16], [sflag:$0x3] =	stream.linear.gather [hbm4b:s6+s31], $0x2800, $0x38;
	[tilespmem:$0x14FA0] =	vst v63  }
0x9f: {  	_ =	swait.ge [sflag:s13], $0x2800  }
0xa0: {  	[sflag:s13] =	ssyncset.done $0x0  }
0xa1: {  	[sflag:s13] =	ssyncadd.s32 $0xFFFFD800  }
0xa2: {  	[bflag:$0x0] =	sbarrier.arrive $0xFFFF  }
0xa3: {  	[tilespmem:s18], [sflag:$0x1] =	stream.indirect.gather [hbm4b:s1+s17], $0x40, s28, s17, $0xb8;
	[tilespmem:$0x14FA0] =	vst v63  }
.LBB2_4:
0xa4: {  	s0 =	sshra.s32 s31, $0x2  }
0xa5: {  	s2 =	sadd.s32 $0x2840, s0  }
0xa6: {  	[tilespmem:s19], [sflag:$0x2] =	stream.indirect.gather [hbm4b:s1+s17], $0x40, s2, s17, $0xb8;
	[tilespmem:$0x14FA0] =	vst v63  }
0xa7: {  	_ =	swait.ge [sflag:s20], $0x1C00  }
0xa8: {  	[sflag:s20] =	ssyncset.done $0x0  }
0xa9: {  	[sflag:s20] =	ssyncadd.s32 $0xFFFFE400  }
0xaa: {  	v1 =	vld [tilespmem:s0+$0x0];
	_ =	sdelay $0x7  }
0xab: {  	[tilespmem:v1+s16+$0x0] =	vst.idx.add.f32.msk $0xffff, v0  }
0xac: {  	v1 =	vld [tilespmem:s0+$0x10];
	_ =	sdelay $0x7  }
0xad: {  	[tilespmem:v1+s16+$0x0] =	vst.idx.add.f32.msk $0xffff, v0  }
0xae: {  	v1 =	vld [tilespmem:s0+$0x20];
	_ =	sdelay $0x7  }
0xaf: {  	[tilespmem:v1+s16+$0x0] =	vst.idx.add.f32.msk $0xffff, v0  }
0xb0: {  	v1 =	vld [tilespmem:s0+$0x30];
	_ =	sdelay $0x7  }
0xb1: {  	[tilespmem:v1+s16+$0x0] =	vst.idx.add.f32.msk $0xffff, v0  }
0xb2: {  	v1 =	vld [tilespmem:s0+$0x40];
	_ =	sdelay $0x7  }
0xb3: {  	[tilespmem:v1+s16+$0x0] =	vst.idx.add.f32.msk $0xffff, v0  }
0xb4: {  	v1 =	vld [tilespmem:s0+$0x50];
	_ =	sdelay $0x7  }
0xb5: {  	[tilespmem:v1+s16+$0x0] =	vst.idx.add.f32.msk $0xffff, v0  }
0xb6: {  	v1 =	vld [tilespmem:s0+$0x60];
	_ =	sdelay $0x7  }
0xb7: {  	[tilespmem:v1+s16+$0x0] =	vst.idx.add.f32.msk $0xffff, v0  }
0xb8: {  	[spmem:s3] =	stream.indirect.scatter.add.bf16 [tilespmem:s18], [sflag:$0x3], $0x40, s0, s17, $0xb8;
	[tilespmem:$0x14FA0] =	vst v63  }
0xb9: {  	_ =	swait.ge [sflag:s13], $0x1C00  }
0xba: {  	[sflag:s13] =	ssyncset.done $0x0  }
0xbb: {  	s2 =	sadd.s32 $0x28B0, s0;
	[sflag:s13] =	ssyncadd.s32 $0xFFFFE400  }
0xbc: {  	[tilespmem:s18], [sflag:$0x1] =	stream.indirect.gather [hbm4b:s1+s17], $0x40, s2, s17, $0xb8;
	[tilespmem:$0x14FA0] =	vst v63  }
0xbd: {  	_ =	swait.ge [sflag:s21], $0x1C00  }
0xbe: {  	[sflag:s21] =	ssyncset.done $0x0  }
0xbf: {  	[sflag:s21] =	ssyncadd.s32 $0xFFFFE400  }
0xc0: {  	v1 =	vld [tilespmem:s0+$0x70];
	_ =	sdelay $0x7  }
0xc1: {  	[tilespmem:v1+s16+$0x0] =	vst.idx.add.f32.msk $0xffff, v0  }
0xc2: {  	v1 =	vld [tilespmem:s0+$0x80];
	_ =	sdelay $0x7  }
0xc3: {  	[tilespmem:v1+s16+$0x0] =	vst.idx.add.f32.msk $0xffff, v0  }
0xc4: {  	v1 =	vld [tilespmem:s0+$0x90];
	_ =	sdelay $0x7  }
0xc5: {  	[tilespmem:v1+s16+$0x0] =	vst.idx.add.f32.msk $0xffff, v0  }
0xc6: {  	v1 =	vld [tilespmem:s0+$0xA0];
	_ =	sdelay $0x7  }
0xc7: {  	[tilespmem:v1+s16+$0x0] =	vst.idx.add.f32.msk $0xffff, v0  }
0xc8: {  	v1 =	vld [tilespmem:s0+$0xB0];
	_ =	sdelay $0x7  }
0xc9: {  	[tilespmem:v1+s16+$0x0] =	vst.idx.add.f32.msk $0xffff, v0  }
0xca: {  	v1 =	vld [tilespmem:s0+$0xC0];
	_ =	sdelay $0x7  }
0xcb: {  	[tilespmem:v1+s16+$0x0] =	vst.idx.add.f32.msk $0xffff, v0  }
0xcc: {  	v1 =	vld [tilespmem:s0+$0xD0];
	_ =	sdelay $0x6  }
0xcd: {  	p0 =	sne.s32 s31, $0x9680  }
.Ltmp1:
0xce: {  	s0 =	sadd.s32 $0x70, s0;
	[tilespmem:v1+s16+$0x0] =	vst.idx.add.f32.msk $0xffff, v0;
	(pc) =	sbr.rel @p0 .LBB2_4-.Ltmp1, $4  }
0xcf: {  	[spmem:s3] =	stream.indirect.scatter.add.bf16 [tilespmem:s19], [sflag:$0x3], $0x40, s0, s17, $0xb8;
	[tilespmem:$0x14FA0] =	vst v63  }
0xd0: {  	_ =	swait.ge [sflag:s13], $0x1C00  }
0xd1: {  	[sflag:s13] =	ssyncset.done $0x0  }
0xd2: {  	s31 =	sadd.s32 $0x380, s31;
	[sflag:s13] =	ssyncadd.s32 $0xFFFFE400  }
0xd3: {  	[tilespmem:s19], [sflag:$0x2] =	stream.indirect.gather [hbm4b:s1+s17], $0x40, s25, s17, $0xb8;
	[tilespmem:$0x14FA0] =	vst v63  }
0xd4: {  	_ =	swait.ge [sflag:s20], $0x1C00  }
0xd5: {  	[sflag:s20] =	ssyncset.done $0x0  }
0xd6: {  	[sflag:s20] =	ssyncadd.s32 $0xFFFFE400  }
0xd7: {  	v1 =	vld [tilespmem:$0x2680];
	_ =	sdelay $0x7  }
0xd8: {  	[tilespmem:v1+s16+$0x0] =	vst.idx.add.f32.msk $0xffff, v0  }
0xd9: {  	v1 =	vld [tilespmem:$0x2690];
	_ =	sdelay $0x7  }
0xda: {  	[tilespmem:v1+s16+$0x0] =	vst.idx.add.f32.msk $0xffff, v0  }
0xdb: {  	v1 =	vld [tilespmem:$0x26A0];
	_ =	sdelay $0x7  }
0xdc: {  	[tilespmem:v1+s16+$0x0] =	vst.idx.add.f32.msk $0xffff, v0  }
0xdd: {  	v1 =	vld [tilespmem:$0x26B0];
	_ =	sdelay $0x7  }
0xde: {  	[tilespmem:v1+s16+$0x0] =	vst.idx.add.f32.msk $0xffff, v0  }
0xdf: {  	v1 =	vld [tilespmem:$0x26C0];
	_ =	sdelay $0x7  }
0xe0: {  	[tilespmem:v1+s16+$0x0] =	vst.idx.add.f32.msk $0xffff, v0  }
0xe1: {  	v1 =	vld [tilespmem:$0x26D0];
	_ =	sdelay $0x7  }
0xe2: {  	[tilespmem:v1+s16+$0x0] =	vst.idx.add.f32.msk $0xffff, v0  }
0xe3: {  	v1 =	vld [tilespmem:$0x26E0];
	_ =	sdelay $0x7  }
0xe4: {  	[tilespmem:v1+s16+$0x0] =	vst.idx.add.f32.msk $0xffff, v0  }
0xe5: {  	[spmem:s3] =	stream.indirect.scatter.add.bf16 [tilespmem:s18], [sflag:$0x3], $0x40, s29, s17, $0xb8;
	[tilespmem:$0x14FA0] =	vst v63  }
0xe6: {  	_ =	swait.ge [sflag:s13], $0x1C00  }
0xe7: {  	[sflag:s13] =	ssyncset.done $0x0  }
0xe8: {  	[sflag:s13] =	ssyncadd.s32 $0xFFFFE400  }
0xe9: {  	[tilespmem:s18], [sflag:$0x1] =	stream.indirect.gather [hbm4b:s1+s17], $0x40, s26, s17, $0xb8;
	[tilespmem:$0x14FA0] =	vst v63  }
0xea: {  	_ =	swait.ge [sflag:s21], $0x1C00  }
0xeb: {  	[sflag:s21] =	ssyncset.done $0x0  }
0xec: {  	[sflag:s21] =	ssyncadd.s32 $0xFFFFE400  }
0xed: {  	v1 =	vld [tilespmem:$0x26F0];
	_ =	sdelay $0x7  }
0xee: {  	[tilespmem:v1+s16+$0x0] =	vst.idx.add.f32.msk $0xffff, v0  }
0xef: {  	v1 =	vld [tilespmem:$0x2700];
	_ =	sdelay $0x7  }
0xf0: {  	[tilespmem:v1+s16+$0x0] =	vst.idx.add.f32.msk $0xffff, v0  }
0xf1: {  	v1 =	vld [tilespmem:$0x2710];
	_ =	sdelay $0x7  }
0xf2: {  	[tilespmem:v1+s16+$0x0] =	vst.idx.add.f32.msk $0xffff, v0  }
0xf3: {  	v1 =	vld [tilespmem:$0x2720];
	_ =	sdelay $0x7  }
0xf4: {  	[tilespmem:v1+s16+$0x0] =	vst.idx.add.f32.msk $0xffff, v0  }
0xf5: {  	v1 =	vld [tilespmem:$0x2730];
	_ =	sdelay $0x7  }
0xf6: {  	[tilespmem:v1+s16+$0x0] =	vst.idx.add.f32.msk $0xffff, v0  }
0xf7: {  	v1 =	vld [tilespmem:$0x2740];
	_ =	sdelay $0x7  }
0xf8: {  	[tilespmem:v1+s16+$0x0] =	vst.idx.add.f32.msk $0xffff, v0  }
0xf9: {  	v1 =	vld [tilespmem:$0x2750];
	_ =	sdelay $0x7  }
0xfa: {  	[tilespmem:v1+s16+$0x0] =	vst.idx.add.f32.msk $0xffff, v0  }
0xfb: {  	[spmem:s3] =	stream.indirect.scatter.add.bf16 [tilespmem:s19], [sflag:$0x3], $0x40, s22, s17, $0xb8;
	[tilespmem:$0x14FA0] =	vst v63  }
0xfc: {  	_ =	swait.ge [sflag:s13], $0x1C00  }
0xfd: {  	[sflag:s13] =	ssyncset.done $0x0  }
0xfe: {  	[sflag:s13] =	ssyncadd.s32 $0xFFFFE400  }
0xff: {  	_ =	swait.ge [sflag:s20], $0x1C00  }
0x100: {  	[sflag:s20] =	ssyncset.done $0x0  }
0x101: {  	[sflag:s20] =	ssyncadd.s32 $0xFFFFE400  }
0x102: {  	v1 =	vld [tilespmem:$0x2760];
	_ =	sdelay $0x7  }
0x103: {  	[tilespmem:v1+s16+$0x0] =	vst.idx.add.f32.msk $0xffff, v0  }
0x104: {  	v1 =	vld [tilespmem:$0x2770];
	_ =	sdelay $0x7  }
0x105: {  	[tilespmem:v1+s16+$0x0] =	vst.idx.add.f32.msk $0xffff, v0  }
0x106: {  	v1 =	vld [tilespmem:$0x2780];
	_ =	sdelay $0x7  }
0x107: {  	[tilespmem:v1+s16+$0x0] =	vst.idx.add.f32.msk $0xffff, v0  }
0x108: {  	v1 =	vld [tilespmem:$0x2790];
	_ =	sdelay $0x7  }
0x109: {  	[tilespmem:v1+s16+$0x0] =	vst.idx.add.f32.msk $0xffff, v0  }
0x10a: {  	v1 =	vld [tilespmem:$0x27A0];
	_ =	sdelay $0x7  }
0x10b: {  	[tilespmem:v1+s16+$0x0] =	vst.idx.add.f32.msk $0xffff, v0  }
0x10c: {  	v1 =	vld [tilespmem:$0x27B0];
	_ =	sdelay $0x7  }
0x10d: {  	[tilespmem:v1+s16+$0x0] =	vst.idx.add.f32.msk $0xffff, v0  }
0x10e: {  	v1 =	vld [tilespmem:$0x27C0];
	_ =	sdelay $0x7  }
0x10f: {  	[tilespmem:v1+s16+$0x0] =	vst.idx.add.f32.msk $0xffff, v0  }
0x110: {  	[spmem:s3] =	stream.indirect.scatter.add.bf16 [tilespmem:s18], [sflag:$0x3], $0x40, s24, s17, $0xb8;
	[tilespmem:$0x14FA0] =	vst v63  }
0x111: {  	_ =	swait.ge [sflag:s13], $0x1C00  }
0x112: {  	[sflag:s13] =	ssyncset.done $0x0  }
0x113: {  	[sflag:s13] =	ssyncadd.s32 $0xFFFFE400  }
0x114: {  	[bflag:$0x0] =	sbarrier.arrive $0xFFFF  }
0x115: {  	[hbm:s10], [sflag:s14] =	dma.local [spmem:s15], $0x1400  }
0x116: {  	s30 =	sadd.s32 $0x1, s30;
	_ =	swait.ge [sflag:s13], $0x1400  }
0x117: {  	p0 =	sne.s32 s30, s12;
	[sflag:s13] =	ssyncset.done $0x0  }
.Ltmp2:
0x118: {  	[sflag:s13] =	ssyncadd.s32 $0xFFFFEC00;
	(pc) =	sbr.rel @p0 .LBB2_1-.Ltmp2, $4  }
0x119: {  	[hbm4b:s11+s4] =	stream.linear.scatter [tilespmem:s16], [sflag:$0x3], $0x2800, $0x38;
	[tilespmem:$0x14FA0] =	vst v63  }
0x11a: {  	_ =	swait.ge [sflag:s13], $0x2800  }
0x11b: {  	[sflag:s13] =	ssyncset.done $0x0  }
0x11c: {  	[sflag:s13] =	ssyncadd.s32 $0xFFFFD800  }
0x11d: {  	_ =	sfence.sel $0x180000  }
0x11e: {  	[bflag:$0x0] =	sbarrier.arrive $0xFFFF  }
0x11f: {  	_ =	strace $0x90000047  }
0x120: {  	s0 =	stileid.u32;
	[bflag:$0x2] =	sbarrier.arrive $0xFFFF  }
0x121: {  	p0 =	sne.s32 s0, $0x0;
	s0 =	rddreg [dreg:$0x3]  }
0x122: {  	s0 =	sadd.s32 @!p0 $0x100000, s0  }
0x123: {  	[sflag:s0] =	ssyncadd.tile.s32 @!p0 $0x1;
	_ =	shalt  }
.Lfunc_end2:
_tile_overlayer_lowered:
.L_overlay_start_2:
0x124: {  	(tag) =	ssettag $0x2  }
0x125: {  	s0 =	rddreg [dreg:$0x0];
	s2 =	stileid.u32  }
0x126: {  	s1 =	rddreg [dreg:$0x1];
	p0 =	sne.s32 s2, $0x0  }
0x127: {  	s3 =	rddreg [dreg:$0x2];
	[bflag:$0x3] =	sbarrier.arrive $0xFFFF;
	s2 =	simm.s32 @!p0 $0x1C03  }
0x128: {  	[timem:s3], [sflag:s2] =	dma.local @!p0 [hbm:s0], s1  }
0x129: {  	s0 =	simm.s32 @!p0 $0x3  }
0x12a: {  	_ =	swait.ge @!p0 [sflag:s0], s1  }
0x12b: {  	s1 =	ssub.s32 @!p0 $0x0, s1;
	[sflag:s0] =	ssyncset.done @!p0 $0x0  }
0x12c: {  	[sflag:s0] =	ssyncadd.s32 @!p0 s1  }
0x12d: {  	[bflag:$0x3] =	sbarrier.arrive $0xFFFF  }
0x12e: {  	_ =	shalt  }

</sc_bundles>
